<compile_context>
chip_gen: v7x
topology: tpu7x:2x2x1
jax: 0.10.2.dev20260603
libtpu: 0.0.44.dev20260713+nightly
codegen_flags: <defaults>
</compile_context>

<pallas_src>
import functools

import numpy as np
import jax
import jax.numpy as jnp
from jax import lax
from jax.experimental import pallas as pl
from jax.experimental.pallas import tpu as pltpu
from jax.experimental.pallas import tpu_sc as plsc

N_NODES = 12288
N_EDGES = 98304
NC = 2
NS = 16
CHUNK = 128
EDGES_PER_TILE = N_EDGES // NS
CHUNKS_PER_TILE = EDGES_PER_TILE // CHUNK
IDX_ROWS = N_EDGES // CHUNK


def _make_edge_kernel(feat):
    half = feat // 2
    nvec = half // 16
    rows_per_tile = N_NODES // NS

    mesh = plsc.VectorSubcoreMesh(core_axis_name="c", subcore_axis_name="s",
                                  num_cores=NC)

    @functools.partial(
        pl.kernel,
        mesh=mesh,
        compiler_params=pltpu.CompilerParams(use_tc_tiling_on_sc=False),
        out_type=[jax.ShapeDtypeStruct((N_NODES, half), jnp.float32)] * 2,
        scratch_types=[
            pltpu.VMEM((CHUNKS_PER_TILE, CHUNK), jnp.int32),
            pltpu.VMEM((CHUNKS_PER_TILE, CHUNK), jnp.int32),
            pltpu.VMEM((CHUNK, 16), jnp.float32),
            pltpu.VMEM((CHUNK, half), jnp.float32),
            pltpu.VMEM_SHARED((N_NODES, half), jnp.float32),
            pltpu.SemaphoreType.DMA,
        ],
    )
    def edge_kernel(tab_a, tab_b, src2, dst2, ew3, out_a, out_b,
                    src_v, dst_v, ew_v, rows_v, acc, sem):
        c = lax.axis_index("c")
        s = lax.axis_index("s")

        zero16 = jnp.zeros((16,), jnp.float32)

        def zbody(i, carry):
            for j in range(nvec):
                rows_v[i, pl.ds(j * 16, 16)] = zero16
            return carry

        lax.fori_loop(0, CHUNK, zbody, 0)
        for r in range(rows_per_tile // CHUNK):
            pltpu.sync_copy(rows_v,
                            acc.at[pl.ds(s * rows_per_tile + r * CHUNK, CHUNK)])

        base = s * CHUNKS_PER_TILE
        pltpu.sync_copy(src2.at[pl.ds(base, CHUNKS_PER_TILE)], src_v)
        pltpu.sync_copy(dst2.at[pl.ds(base, CHUNKS_PER_TILE)], dst_v)
        plsc.subcore_barrier()

        def run_core(tab):
            def chunk_body(t, carry):
                gather = pltpu.async_copy(tab.at[src_v.at[t]], rows_v, sem)
                pltpu.sync_copy(ew3.at[base + t], ew_v)
                gather.wait()

                def scale_body(k, carry2):
                    w = ew_v[k, :]
                    for j in range(nvec):
                        rows_v[k, pl.ds(j * 16, 16)] = (
                            rows_v[k, pl.ds(j * 16, 16)] * w)
                    return carry2

                lax.fori_loop(0, CHUNK, scale_body, 0)

                pltpu.sync_copy(rows_v, acc.at[dst_v.at[t]], add=True)
                return carry

            lax.fori_loop(0, CHUNKS_PER_TILE, chunk_body, 0)

        pl.when(c == 0)(lambda: run_core(tab_a))
        pl.when(c == 1)(lambda: run_core(tab_b))
        plsc.subcore_barrier()

        def writeback(out):
            for r in range(rows_per_tile // CHUNK):
                off = s * rows_per_tile + r * CHUNK
                pltpu.sync_copy(acc.at[pl.ds(off, CHUNK)],
                                out.at[pl.ds(off, CHUNK)])

        pl.when(c == 0)(lambda: writeback(out_a))
        pl.when(c == 1)(lambda: writeback(out_b))

    return edge_kernel


_edge_kernel_cache = {}


def _edge_kernel(feat):
    if feat not in _edge_kernel_cache:
        _edge_kernel_cache[feat] = _make_edge_kernel(feat)
    return _edge_kernel_cache[feat]


def _proj1_body(h_ref, w_ref, b_ref, rel_a_ref, rel_b_ref, root_ref):
    p = jnp.dot(h_ref[...], w_ref[...], preferred_element_type=jnp.float32)
    rel_a_ref[...] = p[:, :64]
    rel_b_ref[...] = p[:, 64:128]
    root_ref[...] = p[:, 128:] + b_ref[...]


_proj1 = pl.pallas_call(
    _proj1_body,
    grid=(12,),
    in_specs=[
        pl.BlockSpec((1024, 672), lambda i: (i, 0)),
        pl.BlockSpec((672, 256), lambda i: (0, 0)),
        pl.BlockSpec((1, 128), lambda i: (0, 0)),
    ],
    out_specs=[
        pl.BlockSpec((1024, 64), lambda i: (i, 0)),
        pl.BlockSpec((1024, 64), lambda i: (i, 0)),
        pl.BlockSpec((1024, 128), lambda i: (i, 0)),
    ],
    out_shape=[jax.ShapeDtypeStruct((N_NODES, 64), jnp.float32),
               jax.ShapeDtypeStruct((N_NODES, 64), jnp.float32),
               jax.ShapeDtypeStruct((N_NODES, 128), jnp.float32)],
)


def _proj2_body(agg_a_ref, agg_b_ref, root1_ref, w_ref, b_ref,
                rel_a_ref, rel_b_ref, root_ref):
    root1 = root1_ref[...]
    h1a = jnp.tanh(agg_a_ref[...] + root1[:, :64])
    h1b = jnp.tanh(agg_b_ref[...] + root1[:, 64:])
    p = (jnp.dot(h1a, w_ref[:64, :], preferred_element_type=jnp.float32)
         + jnp.dot(h1b, w_ref[64:, :], preferred_element_type=jnp.float32))
    rel_a_ref[...] = p[:, :32]
    rel_b_ref[...] = p[:, 32:64]
    root_ref[...] = p[:, 64:] + b_ref[...]


_proj2 = pl.pallas_call(
    _proj2_body,
    grid=(12,),
    in_specs=[
        pl.BlockSpec((1024, 64), lambda i: (i, 0)),
        pl.BlockSpec((1024, 64), lambda i: (i, 0)),
        pl.BlockSpec((1024, 128), lambda i: (i, 0)),
        pl.BlockSpec((128, 128), lambda i: (0, 0)),
        pl.BlockSpec((1, 64), lambda i: (0, 0)),
    ],
    out_specs=[
        pl.BlockSpec((1024, 32), lambda i: (i, 0)),
        pl.BlockSpec((1024, 32), lambda i: (i, 0)),
        pl.BlockSpec((1024, 64), lambda i: (i, 0)),
    ],
    out_shape=[jax.ShapeDtypeStruct((N_NODES, 32), jnp.float32),
               jax.ShapeDtypeStruct((N_NODES, 32), jnp.float32),
               jax.ShapeDtypeStruct((N_NODES, 64), jnp.float32)],
)


def _pool_body(agg_a_ref, agg_b_ref, root_ref, out_ref):
    root = root_ref[...]
    h2a = jnp.tanh(agg_a_ref[...] + root[:, :, :32])
    h2b = jnp.tanh(agg_b_ref[...] + root[:, :, 32:])
    out_ref[:, :32] = jnp.sum(h2a, axis=1) * (1.0 / 32.0)
    out_ref[:, 32:] = jnp.sum(h2b, axis=1) * (1.0 / 32.0)


_pool = pl.pallas_call(
    _pool_body,
    grid=(12,),
    in_specs=[
        pl.BlockSpec((32, 32, 32), lambda i: (i, 0, 0)),
        pl.BlockSpec((32, 32, 32), lambda i: (i, 0, 0)),
        pl.BlockSpec((32, 32, 64), lambda i: (i, 0, 0)),
    ],
    out_specs=pl.BlockSpec((32, 64), lambda i: (i, 0)),
    out_shape=jax.ShapeDtypeStruct((384, 64), jnp.float32),
)


def _head_body(z_ref, wc1_ref, bc1_ref, wc2_ref, bc2_ref, wc3_ref, bc3_ref,
               w4_ref, b4_ref, w5_ref, b5_ref, w6_ref, b6_ref, out_ref):
    z = z_ref[...]
    z = jnp.maximum(
        jnp.dot(z, wc1_ref[...], preferred_element_type=jnp.float32)
        + bc1_ref[...], 0.0)
    z = jnp.maximum(
        jnp.dot(z, wc2_ref[...], preferred_element_type=jnp.float32)
        + bc2_ref[...], 0.0)
    z = jnp.maximum(
        jnp.dot(z, wc3_ref[...], preferred_element_type=jnp.float32)
        + bc3_ref[...], 0.0)
    z = jnp.maximum(
        jnp.dot(z, w4_ref[...], preferred_element_type=jnp.float32)
        + b4_ref[...], 0.0)
    z = jnp.maximum(
        jnp.dot(z, w5_ref[...], preferred_element_type=jnp.float32)
        + b5_ref[...], 0.0)
    out_ref[...] = (
        jnp.dot(z, w6_ref[...], preferred_element_type=jnp.float32)
        + b6_ref[...])


def _head(z, *ws):
    return pl.pallas_call(
        _head_body,
        out_shape=jax.ShapeDtypeStruct((32, 1), jnp.float32),
    )(z, *ws)


def _shift_mats(n):
    s = np.zeros((2, n, n - 1), np.float32)
    for k in range(2):
        for b in range(n - 1):
            s[k, b + k, b] = 1.0
    return s


_S1 = _shift_mats(64)
_S2 = _shift_mats(63)
_S3 = _shift_mats(62)


def kernel(x, edge_index, edge_attr, batch,
           W1_rel, W1_root, b1, W2_rel, W2_root, b2,
           c1w, c1b, c2w, c2b, c3w, c3b,
           m1w, m1b, m2w, m2b, m3w, m3b):
    h = jnp.reshape(x, (-1, x.shape[-1]))

    src2 = edge_index[0].reshape(IDX_ROWS, CHUNK)
    dst2 = edge_index[1].reshape(IDX_ROWS, CHUNK)
    ew3 = jnp.broadcast_to(edge_attr[:, None],
                           (N_EDGES, 16)).reshape(IDX_ROWS, CHUNK, 16)

    w1cat = jnp.concatenate([W1_rel, W1_root], axis=1)
    rel1a, rel1b, root1 = _proj1(h, w1cat, b1[None, :])
    agg1a, agg1b = _edge_kernel(128)(rel1a, rel1b, src2, dst2, ew3)

    w2cat = jnp.concatenate([W2_rel, W2_root], axis=1)
    rel2a, rel2b, root2 = _proj2(agg1a, agg1b, root1, w2cat, b2[None, :])
    agg2a, agg2b = _edge_kernel(64)(rel2a, rel2b, src2, dst2, ew3)

    pooled = _pool(agg2a.reshape(384, 32, 32), agg2b.reshape(384, 32, 32),
                   root2.reshape(384, 32, 64))
    z = pooled.reshape(32, 768)

    wc1 = jnp.einsum("oik,kab->iaob", c1w, _S1).reshape(768, 504)
    wc2 = jnp.einsum("oik,kab->iaob", c2w, _S2).reshape(504, 248)
    wc3 = jnp.einsum("oik,kab->iaob", c3w, _S3).reshape(248, 61)
    bc1 = jnp.repeat(c1b, 63)[None, :]
    bc2 = jnp.repeat(c2b, 62)[None, :]
    bc3 = jnp.repeat(c3b, 61)[None, :]

    return _head(z, wc1, bc1, wc2, bc2, wc3, bc3,
                 m1w.T, m1b[None, :], m2w.T, m2b[None, :],
                 m3w.T, m3b[None, :])

# --- scband reference (transcript-rebuilt; emitter-appended) ---
"""Pipeline reference for scband-gnn-44040594653300 (READ-ONLY COPY).

The authoritative reference and input builder live on the scoring server;
editing this copy changes nothing except your own understanding.
"""

import jax, jax.numpy as jnp
import numpy as np

N_NODES = 12288  # 384 * bs, bs=32
BS = 32
N_EDGES = 98304  # avg degree 8; capped so E * d_feat(672) ~ 66M


def setup_inputs(seed: int = 0) -> dict:
    key = jax.random.key(seed)
    ks = jax.random.split(key, 24)
    inp = {}
    # batch.x: [w, bs, c] with w=384, c=672 (EEG-style windows per graph node block)
    inp["x"] = jax.random.normal(ks[0], (384, BS, 672), dtype=jnp.float32)
    inp["edge_index"] = jax.random.randint(ks[1], (2, N_EDGES), 0, N_NODES, dtype=jnp.int32)
    inp["edge_attr"] = jax.random.uniform(ks[2], (N_EDGES,), dtype=jnp.float32)
    inp["batch"] = jnp.repeat(jnp.arange(BS, dtype=jnp.int32), N_NODES // BS)
    # GraphConv 1: in=672 out=128 (lin_rel has bias, lin_root no bias)
    inp["W1_rel"] = jax.random.normal(ks[3], (672, 128), dtype=jnp.float32) / np.sqrt(672.0)
    inp["W1_root"] = jax.random.normal(ks[4], (672, 128), dtype=jnp.float32) / np.sqrt(672.0)
    inp["b1"] = jnp.zeros((128,), dtype=jnp.float32)
    # GraphConv 2: in=128 out=64
    inp["W2_rel"] = jax.random.normal(ks[5], (128, 64), dtype=jnp.float32) / np.sqrt(128.0)
    inp["W2_root"] = jax.random.normal(ks[6], (128, 64), dtype=jnp.float32) / np.sqrt(128.0)
    inp["b2"] = jnp.zeros((64,), dtype=jnp.float32)
    # Conv1d stack
    inp["c1w"] = jax.random.normal(ks[7], (8, 12, 2), dtype=jnp.float32) / np.sqrt(24.0)
    inp["c1b"] = jnp.zeros((8,), dtype=jnp.float32)
    inp["c2w"] = jax.random.normal(ks[8], (4, 8, 2), dtype=jnp.float32) / np.sqrt(16.0)
    inp["c2b"] = jnp.zeros((4,), dtype=jnp.float32)
    inp["c3w"] = jax.random.normal(ks[9], (1, 4, 2), dtype=jnp.float32) / np.sqrt(8.0)
    inp["c3b"] = jnp.zeros((1,), dtype=jnp.float32)
    # MLP: 61 -> 16 -> 8 -> 1
    inp["m1w"] = jax.random.normal(ks[10], (16, 61), dtype=jnp.float32) / np.sqrt(61.0)
    inp["m1b"] = jnp.zeros((16,), dtype=jnp.float32)
    inp["m2w"] = jax.random.normal(ks[11], (8, 16), dtype=jnp.float32) / np.sqrt(16.0)
    inp["m2b"] = jnp.zeros((8,), dtype=jnp.float32)
    inp["m3w"] = jax.random.normal(ks[12], (1, 8), dtype=jnp.float32) / np.sqrt(8.0)
    inp["m3b"] = jnp.zeros((1,), dtype=jnp.float32)
    return inp


def _conv1d(v, w, b):
    o = jax.lax.conv_general_dilated(v, w, window_strides=(1,), padding="VALID",
                                     dimension_numbers=("NCH", "OIH", "NCH"))
    return o + b[None, :, None]


def _graph_conv(h, src, dst, ew, W_rel, W_root, b):
    # PyG GraphConv with aggr='add' and scalar edge_weight:
    # out_i = (sum_{j->i} e_ji * x_j) @ W_rel + b + x_i @ W_root
    msg = h[src] * ew[:, None]
    agg = jax.ops.segment_sum(msg, dst, num_segments=h.shape[0])
    return agg @ W_rel + h @ W_root + b


def reference(x, edge_index, edge_attr, batch,
              W1_rel, W1_root, b1, W2_rel, W2_root, b2,
              c1w, c1b, c2w, c2b, c3w, c3b,
              m1w, m1b, m2w, m2b, m3w, m3b):
    bs = BS  # len(unique(batch)); static for tracing
    h = jnp.reshape(x, (-1, x.shape[-1]))  # rearrange 'w bs c -> (w bs) c'
    src, dst = edge_index[0], edge_index[1]
    h = jnp.tanh(_graph_conv(h, src, dst, edge_attr, W1_rel, W1_root, b1))
    # dropout (p=0.25) is identity in eval mode
    h = jnp.tanh(_graph_conv(h, src, dst, edge_attr, W2_rel, W2_root, b2))
    # gmeanp over segments: repeat(range(12*bs), 32)
    seg = jnp.repeat(jnp.arange(12 * bs), 32)
    pooled = jax.ops.segment_sum(h, seg, num_segments=12 * bs) / 32.0
    z = jnp.reshape(pooled, (bs, 12, 64))  # '(bs g) f -> bs g f'
    z = jax.nn.relu(_conv1d(z, c1w, c1b))  # [bs, 8, 63]
    z = jax.nn.relu(_conv1d(z, c2w, c2b))  # [bs, 4, 62]
    z = jax.nn.relu(_conv1d(z, c3w, c3b))  # [bs, 1, 61]
    z = jnp.reshape(z, (bs, -1))           # [bs, 61]
    z = jax.nn.relu(z @ m1w.T + m1b)
    z = jax.nn.relu(z @ m2w.T + m2b)
    z = z @ m3w.T + m3b
    return z

if __name__ == "__main__":
    import jax
    _d = setup_inputs()
    print(jax.jit(kernel)(*tuple(_d.values())))

</pallas_src>

<mosaic_0001>
#map = affine_map<(d0, d1) -> (0, 0)>
#map1 = affine_map<(d0, d1) -> (0, 0, 0)>
module attributes {stable_mosaic.version = 14 : i64} {
  func.func @edge_kernel(%arg0: i32, %arg1: i32, %arg2: memref<12288x64xf32, #tpu.memory_space<hbm>>, %arg3: memref<12288x64xf32, #tpu.memory_space<hbm>>, %arg4: memref<768x128xi32, #tpu.memory_space<hbm>>, %arg5: memref<768x128xi32, #tpu.memory_space<hbm>>, %arg6: memref<768x128x16xf32, #tpu.memory_space<hbm>>, %arg7: memref<12288x64xf32, #tpu.memory_space<hbm>>, %arg8: memref<12288x64xf32, #tpu.memory_space<hbm>>, %arg9: memref<48x128xi32, #tpu.memory_space<vmem>>, %arg10: memref<48x128xi32, #tpu.memory_space<vmem>>, %arg11: memref<128x16xf32, #tpu.memory_space<vmem>>, %arg12: memref<128x64xf32, #tpu.memory_space<vmem>>, %arg13: memref<12288x64xf32, #tpu.memory_space<vmem_shared>>, %arg14: memref<!tpu.dma_semaphore, #tpu.memory_space<semaphore_mem>>) attributes {dimension_semantics = [#tpu.dimension_semantics<core_parallel>, #tpu.dimension_semantics<subcore_parallel>], iteration_bounds = array<i64: 2, 16>, scalar_prefetch = 0 : i64, scratch_operands = 6 : i64, tpu.core_type = #tpu.core_type<sc_vector_subcore>, window_params = [{transform_indices = #map}, {transform_indices = #map}, {transform_indices = #map}, {transform_indices = #map}, {transform_indices = #map1}, {transform_indices = #map}, {transform_indices = #map}]} {
    %broadcast_in_dim3A = arith.constant 0.000000e+00 : f32
    %broadcast_in_dim3A_0 = vector.broadcast %broadcast_in_dim3A : f32 to vector<16xf32>
    %scan3A = arith.constant 0 : i32
    %scan3A_1 = arith.constant 0 : i32
    %scan3A_2 = arith.constant 128 : i32
    %scan3A_3 = arith.addi %scan3A_1, %scan3A_2 : i32
    %scan3A_4 = arith.constant 1 : i32
    scf.for %scan3A_48 = %scan3A_1 to %scan3A_3 step %scan3A_4  : i32 {
      %swap3A = arith.index_cast %scan3A_48 : i32 to index
      %swap3A_49 = arith.constant 0 : index
      %swap3A_50 = tpu.vector_load %arg12[%swap3A, %swap3A_49] {strides = array<i32>} : memref<128x64xf32, #tpu.memory_space<vmem>>, vector<1x16xf32>,
      %swap3A_51 = vector.shape_cast %swap3A_50 : vector<1x16xf32> to vector<16xf32>
      %swap3A_52 = vector.shape_cast %broadcast_in_dim3A_0 : vector<16xf32> to vector<1x16xf32>
      tpu.vector_store %arg12[%swap3A, %swap3A_49], %swap3A_52 {strides = array<i32>} : memref<128x64xf32, #tpu.memory_space<vmem>>, vector<1x16xf32>,
      %swap3A_53 = arith.index_cast %scan3A_48 : i32 to index
      %swap3A_54 = arith.constant 16 : index
      %swap3A_55 = tpu.vector_load %arg12[%swap3A_53, %swap3A_54] {strides = array<i32>} : memref<128x64xf32, #tpu.memory_space<vmem>>, vector<1x16xf32>,
      %swap3A_56 = vector.shape_cast %swap3A_55 : vector<1x16xf32> to vector<16xf32>
      %swap3A_57 = vector.shape_cast %broadcast_in_dim3A_0 : vector<16xf32> to vector<1x16xf32>
      tpu.vector_store %arg12[%swap3A_53, %swap3A_54], %swap3A_57 {strides = array<i32>} : memref<128x64xf32, #tpu.memory_space<vmem>>, vector<1x16xf32>,
      %swap3A_58 = arith.index_cast %scan3A_48 : i32 to index
      %swap3A_59 = arith.constant 32 : index
      %swap3A_60 = tpu.vector_load %arg12[%swap3A_58, %swap3A_59] {strides = array<i32>} : memref<128x64xf32, #tpu.memory_space<vmem>>, vector<1x16xf32>,
      %swap3A_61 = vector.shape_cast %swap3A_60 : vector<1x16xf32> to vector<16xf32>
      %swap3A_62 = vector.shape_cast %broadcast_in_dim3A_0 : vector<16xf32> to vector<1x16xf32>
      tpu.vector_store %arg12[%swap3A_58, %swap3A_59], %swap3A_62 {strides = array<i32>} : memref<128x64xf32, #tpu.memory_space<vmem>>, vector<1x16xf32>,
      %swap3A_63 = arith.index_cast %scan3A_48 : i32 to index
      %swap3A_64 = arith.constant 48 : index
      %swap3A_65 = tpu.vector_load %arg12[%swap3A_63, %swap3A_64] {strides = array<i32>} : memref<128x64xf32, #tpu.memory_space<vmem>>, vector<1x16xf32>,
      %swap3A_66 = vector.shape_cast %swap3A_65 : vector<1x16xf32> to vector<16xf32>
      %swap3A_67 = vector.shape_cast %broadcast_in_dim3A_0 : vector<16xf32> to vector<1x16xf32>
      tpu.vector_store %arg12[%swap3A_63, %swap3A_64], %swap3A_67 {strides = array<i32>} : memref<128x64xf32, #tpu.memory_space<vmem>>, vector<1x16xf32>,
    }
    %scan3A_5 = arith.constant 128 : i32
    %mul3A = arith.constant 768 : i32
    %mul3A_6 = arith.muli %arg1, %mul3A : i32
    %add3A = arith.constant 0 : i32
    %add3A_7 = arith.addi %mul3A_6, %add3A : i32
    "tpu.region"() ({
      %run_scoped3A = tpu.sem_alloc : memref<!tpu.dma_semaphore, #tpu.memory_space<semaphore_mem>>
      %dma_start3A = arith.constant 0 : i32
      %dma_start3A_48 = tpu.memref_slice %arg13[%add3A_7, %dma_start3A] : memref<12288x64xf32, #tpu.memory_space<vmem_shared>> -> memref<128x64xf32, #tpu.memory_space<vmem_shared>>
      %dma_start3A_49 = arith.constant 0 : i32
      %dma_start3A_50 = tpu.memref_slice %arg13[%add3A_7, %dma_start3A_49] : memref<12288x64xf32, #tpu.memory_space<vmem_shared>> -> memref<128x64xf32, #tpu.memory_space<vmem_shared>>
      tpu.enqueue_dma source(%arg12 : memref<128x64xf32, #tpu.memory_space<vmem>>) target(%dma_start3A_50 : memref<128x64xf32, #tpu.memory_space<vmem_shared>>) target_semaphore(%run_scoped3A : memref<!tpu.dma_semaphore, #tpu.memory_space<semaphore_mem>>)
      %dma_wait3A = arith.constant 0 : i32
      %dma_wait3A_51 = tpu.memref_slice %arg13[%add3A_7, %dma_wait3A] : memref<12288x64xf32, #tpu.memory_space<vmem_shared>> -> memref<128x64xf32, #tpu.memory_space<vmem_shared>>
      %dma_wait3A_52 = arith.constant 0 : i32
      %dma_wait3A_53 = tpu.memref_slice %arg13[%add3A_7, %dma_wait3A_52] : memref<12288x64xf32, #tpu.memory_space<vmem_shared>> -> memref<128x64xf32, #tpu.memory_space<vmem_shared>>
      tpu.wait_dma2 semaphore(%run_scoped3A : memref<!tpu.dma_semaphore, #tpu.memory_space<semaphore_mem>>) src(%arg12 : memref<128x64xf32, #tpu.memory_space<vmem>>) dst(%dma_wait3A_53 : memref<128x64xf32, #tpu.memory_space<vmem_shared>>)
      tpu.yield
    }) : () -> ()
    %mul3A_8 = arith.constant 768 : i32
    %mul3A_9 = arith.muli %arg1, %mul3A_8 : i32
    %add3A_10 = arith.constant 128 : i32
    %add3A_11 = arith.addi %mul3A_9, %add3A_10 : i32
    "tpu.region"() ({
      %run_scoped3A = tpu.sem_alloc : memref<!tpu.dma_semaphore, #tpu.memory_space<semaphore_mem>>
      %dma_start3A = arith.constant 0 : i32
      %dma_start3A_48 = tpu.memref_slice %arg13[%add3A_11, %dma_start3A] : memref<12288x64xf32, #tpu.memory_space<vmem_shared>> -> memref<128x64xf32, #tpu.memory_space<vmem_shared>>
      %dma_start3A_49 = arith.constant 0 : i32
      %dma_start3A_50 = tpu.memref_slice %arg13[%add3A_11, %dma_start3A_49] : memref<12288x64xf32, #tpu.memory_space<vmem_shared>> -> memref<128x64xf32, #tpu.memory_space<vmem_shared>>
      tpu.enqueue_dma source(%arg12 : memref<128x64xf32, #tpu.memory_space<vmem>>) target(%dma_start3A_50 : memref<128x64xf32, #tpu.memory_space<vmem_shared>>) target_semaphore(%run_scoped3A : memref<!tpu.dma_semaphore, #tpu.memory_space<semaphore_mem>>)
      %dma_wait3A = arith.constant 0 : i32
      %dma_wait3A_51 = tpu.memref_slice %arg13[%add3A_11, %dma_wait3A] : memref<12288x64xf32, #tpu.memory_space<vmem_shared>> -> memref<128x64xf32, #tpu.memory_space<vmem_shared>>
      %dma_wait3A_52 = arith.constant 0 : i32
      %dma_wait3A_53 = tpu.memref_slice %arg13[%add3A_11, %dma_wait3A_52] : memref<12288x64xf32, #tpu.memory_space<vmem_shared>> -> memref<128x64xf32, #tpu.memory_space<vmem_shared>>
      tpu.wait_dma2 semaphore(%run_scoped3A : memref<!tpu.dma_semaphore, #tpu.memory_space<semaphore_mem>>) src(%arg12 : memref<128x64xf32, #tpu.memory_space<vmem>>) dst(%dma_wait3A_53 : memref<128x64xf32, #tpu.memory_space<vmem_shared>>)
      tpu.yield
    }) : () -> ()
    %mul3A_12 = arith.constant 768 : i32
    %mul3A_13 = arith.muli %arg1, %mul3A_12 : i32
    %add3A_14 = arith.constant 256 : i32
    %add3A_15 = arith.addi %mul3A_13, %add3A_14 : i32
    "tpu.region"() ({
      %run_scoped3A = tpu.sem_alloc : memref<!tpu.dma_semaphore, #tpu.memory_space<semaphore_mem>>
      %dma_start3A = arith.constant 0 : i32
      %dma_start3A_48 = tpu.memref_slice %arg13[%add3A_15, %dma_start3A] : memref<12288x64xf32, #tpu.memory_space<vmem_shared>> -> memref<128x64xf32, #tpu.memory_space<vmem_shared>>
      %dma_start3A_49 = arith.constant 0 : i32
      %dma_start3A_50 = tpu.memref_slice %arg13[%add3A_15, %dma_start3A_49] : memref<12288x64xf32, #tpu.memory_space<vmem_shared>> -> memref<128x64xf32, #tpu.memory_space<vmem_shared>>
      tpu.enqueue_dma source(%arg12 : memref<128x64xf32, #tpu.memory_space<vmem>>) target(%dma_start3A_50 : memref<128x64xf32, #tpu.memory_space<vmem_shared>>) target_semaphore(%run_scoped3A : memref<!tpu.dma_semaphore, #tpu.memory_space<semaphore_mem>>)
      %dma_wait3A = arith.constant 0 : i32
      %dma_wait3A_51 = tpu.memref_slice %arg13[%add3A_15, %dma_wait3A] : memref<12288x64xf32, #tpu.memory_space<vmem_shared>> -> memref<128x64xf32, #tpu.memory_space<vmem_shared>>
      %dma_wait3A_52 = arith.constant 0 : i32
      %dma_wait3A_53 = tpu.memref_slice %arg13[%add3A_15, %dma_wait3A_52] : memref<12288x64xf32, #tpu.memory_space<vmem_shared>> -> memref<128x64xf32, #tpu.memory_space<vmem_shared>>
      tpu.wait_dma2 semaphore(%run_scoped3A : memref<!tpu.dma_semaphore, #tpu.memory_space<semaphore_mem>>) src(%arg12 : memref<128x64xf32, #tpu.memory_space<vmem>>) dst(%dma_wait3A_53 : memref<128x64xf32, #tpu.memory_space<vmem_shared>>)
      tpu.yield
    }) : () -> ()
    %mul3A_16 = arith.constant 768 : i32
    %mul3A_17 = arith.muli %arg1, %mul3A_16 : i32
    %add3A_18 = arith.constant 384 : i32
    %add3A_19 = arith.addi %mul3A_17, %add3A_18 : i32
    "tpu.region"() ({
      %run_scoped3A = tpu.sem_alloc : memref<!tpu.dma_semaphore, #tpu.memory_space<semaphore_mem>>
      %dma_start3A = arith.constant 0 : i32
      %dma_start3A_48 = tpu.memref_slice %arg13[%add3A_19, %dma_start3A] : memref<12288x64xf32, #tpu.memory_space<vmem_shared>> -> memref<128x64xf32, #tpu.memory_space<vmem_shared>>
      %dma_start3A_49 = arith.constant 0 : i32
      %dma_start3A_50 = tpu.memref_slice %arg13[%add3A_19, %dma_start3A_49] : memref<12288x64xf32, #tpu.memory_space<vmem_shared>> -> memref<128x64xf32, #tpu.memory_space<vmem_shared>>
      tpu.enqueue_dma source(%arg12 : memref<128x64xf32, #tpu.memory_space<vmem>>) target(%dma_start3A_50 : memref<128x64xf32, #tpu.memory_space<vmem_shared>>) target_semaphore(%run_scoped3A : memref<!tpu.dma_semaphore, #tpu.memory_space<semaphore_mem>>)
      %dma_wait3A = arith.constant 0 : i32
      %dma_wait3A_51 = tpu.memref_slice %arg13[%add3A_19, %dma_wait3A] : memref<12288x64xf32, #tpu.memory_space<vmem_shared>> -> memref<128x64xf32, #tpu.memory_space<vmem_shared>>
      %dma_wait3A_52 = arith.constant 0 : i32
      %dma_wait3A_53 = tpu.memref_slice %arg13[%add3A_19, %dma_wait3A_52] : memref<12288x64xf32, #tpu.memory_space<vmem_shared>> -> memref<128x64xf32, #tpu.memory_space<vmem_shared>>
      tpu.wait_dma2 semaphore(%run_scoped3A : memref<!tpu.dma_semaphore, #tpu.memory_space<semaphore_mem>>) src(%arg12 : memref<128x64xf32, #tpu.memory_space<vmem>>) dst(%dma_wait3A_53 : memref<128x64xf32, #tpu.memory_space<vmem_shared>>)
      tpu.yield
    }) : () -> ()
    %mul3A_20 = arith.constant 768 : i32
    %mul3A_21 = arith.muli %arg1, %mul3A_20 : i32
    %add3A_22 = arith.constant 512 : i32
    %add3A_23 = arith.addi %mul3A_21, %add3A_22 : i32
    "tpu.region"() ({
      %run_scoped3A = tpu.sem_alloc : memref<!tpu.dma_semaphore, #tpu.memory_space<semaphore_mem>>
      %dma_start3A = arith.constant 0 : i32
      %dma_start3A_48 = tpu.memref_slice %arg13[%add3A_23, %dma_start3A] : memref<12288x64xf32, #tpu.memory_space<vmem_shared>> -> memref<128x64xf32, #tpu.memory_space<vmem_shared>>
      %dma_start3A_49 = arith.constant 0 : i32
      %dma_start3A_50 = tpu.memref_slice %arg13[%add3A_23, %dma_start3A_49] : memref<12288x64xf32, #tpu.memory_space<vmem_shared>> -> memref<128x64xf32, #tpu.memory_space<vmem_shared>>
      tpu.enqueue_dma source(%arg12 : memref<128x64xf32, #tpu.memory_space<vmem>>) target(%dma_start3A_50 : memref<128x64xf32, #tpu.memory_space<vmem_shared>>) target_semaphore(%run_scoped3A : memref<!tpu.dma_semaphore, #tpu.memory_space<semaphore_mem>>)
      %dma_wait3A = arith.constant 0 : i32
      %dma_wait3A_51 = tpu.memref_slice %arg13[%add3A_23, %dma_wait3A] : memref<12288x64xf32, #tpu.memory_space<vmem_shared>> -> memref<128x64xf32, #tpu.memory_space<vmem_shared>>
      %dma_wait3A_52 = arith.constant 0 : i32
      %dma_wait3A_53 = tpu.memref_slice %arg13[%add3A_23, %dma_wait3A_52] : memref<12288x64xf32, #tpu.memory_space<vmem_shared>> -> memref<128x64xf32, #tpu.memory_space<vmem_shared>>
      tpu.wait_dma2 semaphore(%run_scoped3A : memref<!tpu.dma_semaphore, #tpu.memory_space<semaphore_mem>>) src(%arg12 : memref<128x64xf32, #tpu.memory_space<vmem>>) dst(%dma_wait3A_53 : memref<128x64xf32, #tpu.memory_space<vmem_shared>>)
      tpu.yield
    }) : () -> ()
    %mul3A_24 = arith.constant 768 : i32
    %mul3A_25 = arith.muli %arg1, %mul3A_24 : i32
    %add3A_26 = arith.constant 640 : i32
    %add3A_27 = arith.addi %mul3A_25, %add3A_26 : i32
    "tpu.region"() ({
      %run_scoped3A = tpu.sem_alloc : memref<!tpu.dma_semaphore, #tpu.memory_space<semaphore_mem>>
      %dma_start3A = arith.constant 0 : i32
      %dma_start3A_48 = tpu.memref_slice %arg13[%add3A_27, %dma_start3A] : memref<12288x64xf32, #tpu.memory_space<vmem_shared>> -> memref<128x64xf32, #tpu.memory_space<vmem_shared>>
      %dma_start3A_49 = arith.constant 0 : i32
      %dma_start3A_50 = tpu.memref_slice %arg13[%add3A_27, %dma_start3A_49] : memref<12288x64xf32, #tpu.memory_space<vmem_shared>> -> memref<128x64xf32, #tpu.memory_space<vmem_shared>>
      tpu.enqueue_dma source(%arg12 : memref<128x64xf32, #tpu.memory_space<vmem>>) target(%dma_start3A_50 : memref<128x64xf32, #tpu.memory_space<vmem_shared>>) target_semaphore(%run_scoped3A : memref<!tpu.dma_semaphore, #tpu.memory_space<semaphore_mem>>)
      %dma_wait3A = arith.constant 0 : i32
      %dma_wait3A_51 = tpu.memref_slice %arg13[%add3A_27, %dma_wait3A] : memref<12288x64xf32, #tpu.memory_space<vmem_shared>> -> memref<128x64xf32, #tpu.memory_space<vmem_shared>>
      %dma_wait3A_52 = arith.constant 0 : i32
      %dma_wait3A_53 = tpu.memref_slice %arg13[%add3A_27, %dma_wait3A_52] : memref<12288x64xf32, #tpu.memory_space<vmem_shared>> -> memref<128x64xf32, #tpu.memory_space<vmem_shared>>
      tpu.wait_dma2 semaphore(%run_scoped3A : memref<!tpu.dma_semaphore, #tpu.memory_space<semaphore_mem>>) src(%arg12 : memref<128x64xf32, #tpu.memory_space<vmem>>) dst(%dma_wait3A_53 : memref<128x64xf32, #tpu.memory_space<vmem_shared>>)
      tpu.yield
    }) : () -> ()
    %mul3A_28 = arith.constant 48 : i32
    %mul3A_29 = arith.muli %arg1, %mul3A_28 : i32
    "tpu.region"() ({
      %run_scoped3A = tpu.sem_alloc : memref<!tpu.dma_semaphore, #tpu.memory_space<semaphore_mem>>
      %dma_start3A = arith.constant 0 : i32
      %dma_start3A_48 = tpu.memref_slice %arg4[%mul3A_29, %dma_start3A] : memref<768x128xi32, #tpu.memory_space<hbm>> -> memref<48x128xi32, #tpu.memory_space<hbm>>
      %dma_start3A_49 = arith.constant 0 : i32
      %dma_start3A_50 = tpu.memref_slice %arg4[%mul3A_29, %dma_start3A_49] : memref<768x128xi32, #tpu.memory_space<hbm>> -> memref<48x128xi32, #tpu.memory_space<hbm>>
      tpu.enqueue_dma source(%dma_start3A_50 : memref<48x128xi32, #tpu.memory_space<hbm>>) target(%arg9 : memref<48x128xi32, #tpu.memory_space<vmem>>) target_semaphore(%run_scoped3A : memref<!tpu.dma_semaphore, #tpu.memory_space<semaphore_mem>>)
      %dma_wait3A = arith.constant 0 : i32
      %dma_wait3A_51 = tpu.memref_slice %arg4[%mul3A_29, %dma_wait3A] : memref<768x128xi32, #tpu.memory_space<hbm>> -> memref<48x128xi32, #tpu.memory_space<hbm>>
      %dma_wait3A_52 = arith.constant 0 : i32
      %dma_wait3A_53 = tpu.memref_slice %arg4[%mul3A_29, %dma_wait3A_52] : memref<768x128xi32, #tpu.memory_space<hbm>> -> memref<48x128xi32, #tpu.memory_space<hbm>>
      tpu.wait_dma2 semaphore(%run_scoped3A : memref<!tpu.dma_semaphore, #tpu.memory_space<semaphore_mem>>) src(%dma_wait3A_53 : memref<48x128xi32, #tpu.memory_space<hbm>>) dst(%arg9 : memref<48x128xi32, #tpu.memory_space<vmem>>)
      tpu.yield
    }) : () -> ()
    "tpu.region"() ({
      %run_scoped3A = tpu.sem_alloc : memref<!tpu.dma_semaphore, #tpu.memory_space<semaphore_mem>>
      %dma_start3A = arith.constant 0 : i32
      %dma_start3A_48 = tpu.memref_slice %arg5[%mul3A_29, %dma_start3A] : memref<768x128xi32, #tpu.memory_space<hbm>> -> memref<48x128xi32, #tpu.memory_space<hbm>>
      %dma_start3A_49 = arith.constant 0 : i32
      %dma_start3A_50 = tpu.memref_slice %arg5[%mul3A_29, %dma_start3A_49] : memref<768x128xi32, #tpu.memory_space<hbm>> -> memref<48x128xi32, #tpu.memory_space<hbm>>
      tpu.enqueue_dma source(%dma_start3A_50 : memref<48x128xi32, #tpu.memory_space<hbm>>) target(%arg10 : memref<48x128xi32, #tpu.memory_space<vmem>>) target_semaphore(%run_scoped3A : memref<!tpu.dma_semaphore, #tpu.memory_space<semaphore_mem>>)
      %dma_wait3A = arith.constant 0 : i32
      %dma_wait3A_51 = tpu.memref_slice %arg5[%mul3A_29, %dma_wait3A] : memref<768x128xi32, #tpu.memory_space<hbm>> -> memref<48x128xi32, #tpu.memory_space<hbm>>
      %dma_wait3A_52 = arith.constant 0 : i32
      %dma_wait3A_53 = tpu.memref_slice %arg5[%mul3A_29, %dma_wait3A_52] : memref<768x128xi32, #tpu.memory_space<hbm>> -> memref<48x128xi32, #tpu.memory_space<hbm>>
      tpu.wait_dma2 semaphore(%run_scoped3A : memref<!tpu.dma_semaphore, #tpu.memory_space<semaphore_mem>>) src(%dma_wait3A_53 : memref<48x128xi32, #tpu.memory_space<hbm>>) dst(%arg10 : memref<48x128xi32, #tpu.memory_space<vmem>>)
      tpu.yield
    }) : () -> ()
    %barrier3A = arith.constant 0 : index
    tpu.barrier barrier_id(%barrier3A)
    %eq3A = arith.constant 0 : i32
    %eq3A_30 = arith.cmpi eq, %arg0, %eq3A : i32
    %convert_element_type3A = arith.extui %eq3A_30 : i1 to i32
    %cond3A = arith.constant 0 : i32
    %cond3A_31 = arith.cmpi ne, %convert_element_type3A, %cond3A : i32
    scf.if %cond3A_31 {
      %scan3A_48 = arith.constant 0 : i32
      %scan3A_49 = arith.constant 0 : i32
      %scan3A_50 = arith.constant 48 : i32
      %scan3A_51 = arith.addi %scan3A_49, %scan3A_50 : i32
      %scan3A_52 = arith.constant 1 : i32
      scf.for %scan3A_54 = %scan3A_49 to %scan3A_51 step %scan3A_52  : i32 {
        %dma_start3A = arith.constant 0 : i32
        %dma_start3A_55 = tpu.memref_slice %arg9[%scan3A_54, %dma_start3A] : memref<48x128xi32, #tpu.memory_space<vmem>> -> memref<1x128xi32, #tpu.memory_space<vmem>>
        %dma_start3A_56 = tpu.memref_squeeze %dma_start3A_55 : memref<1x128xi32, #tpu.memory_space<vmem>> -> memref<128xi32, #tpu.memory_space<vmem>>
        %dma_start3A_57 = arith.constant 0 : i32
        %dma_start3A_58 = arith.constant 0 : i32
        %dma_start3A_59 = tpu.memref_slice %arg2[%dma_start3A_57, %dma_start3A_58] : memref<12288x64xf32, #tpu.memory_space<hbm>> -> memref<12288x64xf32, #tpu.memory_space<hbm>>
        tpu.enqueue_indirect_dma source(%dma_start3A_59 : memref<12288x64xf32, #tpu.memory_space<hbm>>) target(%arg12 : memref<128x64xf32, #tpu.memory_space<vmem>>) offsets(%dma_start3A_56 : memref<128xi32, #tpu.memory_space<vmem>>) semaphore(%arg14 : memref<!tpu.dma_semaphore, #tpu.memory_space<semaphore_mem>>)
        %add3A_60 = arith.addi %mul3A_29, %scan3A_54 : i32
        "tpu.region"() ({
          %run_scoped3A = tpu.sem_alloc : memref<!tpu.dma_semaphore, #tpu.memory_space<semaphore_mem>>
          %dma_start3A_72 = arith.constant 0 : i32
          %dma_start3A_73 = arith.constant 0 : i32
          %dma_start3A_74 = tpu.memref_slice %arg6[%add3A_60, %dma_start3A_72, %dma_start3A_73] : memref<768x128x16xf32, #tpu.memory_space<hbm>> -> memref<1x128x16xf32, #tpu.memory_space<hbm>>
          %dma_start3A_75 = tpu.memref_squeeze %dma_start3A_74 : memref<1x128x16xf32, #tpu.memory_space<hbm>> -> memref<128x16xf32, #tpu.memory_space<hbm>>
          %dma_start3A_76 = arith.constant 0 : i32
          %dma_start3A_77 = arith.constant 0 : i32
          %dma_start3A_78 = tpu.memref_slice %arg6[%add3A_60, %dma_start3A_76, %dma_start3A_77] : memref<768x128x16xf32, #tpu.memory_space<hbm>> -> memref<1x128x16xf32, #tpu.memory_space<hbm>>
          %dma_start3A_79 = tpu.memref_squeeze %dma_start3A_78 : memref<1x128x16xf32, #tpu.memory_space<hbm>> -> memref<128x16xf32, #tpu.memory_space<hbm>>
          tpu.enqueue_dma source(%dma_start3A_79 : memref<128x16xf32, #tpu.memory_space<hbm>>) target(%arg11 : memref<128x16xf32, #tpu.memory_space<vmem>>) target_semaphore(%run_scoped3A : memref<!tpu.dma_semaphore, #tpu.memory_space<semaphore_mem>>)
          %dma_wait3A_80 = arith.constant 0 : i32
          %dma_wait3A_81 = arith.constant 0 : i32
          %dma_wait3A_82 = tpu.memref_slice %arg6[%add3A_60, %dma_wait3A_80, %dma_wait3A_81] : memref<768x128x16xf32, #tpu.memory_space<hbm>> -> memref<1x128x16xf32, #tpu.memory_space<hbm>>
          %dma_wait3A_83 = tpu.memref_squeeze %dma_wait3A_82 : memref<1x128x16xf32, #tpu.memory_space<hbm>> -> memref<128x16xf32, #tpu.memory_space<hbm>>
          %dma_wait3A_84 = arith.constant 0 : i32
          %dma_wait3A_85 = arith.constant 0 : i32
          %dma_wait3A_86 = tpu.memref_slice %arg6[%add3A_60, %dma_wait3A_84, %dma_wait3A_85] : memref<768x128x16xf32, #tpu.memory_space<hbm>> -> memref<1x128x16xf32, #tpu.memory_space<hbm>>
          %dma_wait3A_87 = tpu.memref_squeeze %dma_wait3A_86 : memref<1x128x16xf32, #tpu.memory_space<hbm>> -> memref<128x16xf32, #tpu.memory_space<hbm>>
          tpu.wait_dma2 semaphore(%run_scoped3A : memref<!tpu.dma_semaphore, #tpu.memory_space<semaphore_mem>>) src(%dma_wait3A_87 : memref<128x16xf32, #tpu.memory_space<hbm>>) dst(%arg11 : memref<128x16xf32, #tpu.memory_space<vmem>>)
          tpu.yield
        }) : () -> ()
        %dma_wait3A = arith.constant 0 : i32
        %dma_wait3A_61 = tpu.memref_slice %arg9[%scan3A_54, %dma_wait3A] : memref<48x128xi32, #tpu.memory_space<vmem>> -> memref<1x128xi32, #tpu.memory_space<vmem>>
        %dma_wait3A_62 = tpu.memref_squeeze %dma_wait3A_61 : memref<1x128xi32, #tpu.memory_space<vmem>> -> memref<128xi32, #tpu.memory_space<vmem>>
        %dma_wait3A_63 = arith.constant 0 : i32
        %dma_wait3A_64 = arith.constant 0 : i32
        %dma_wait3A_65 = tpu.memref_slice %arg2[%dma_wait3A_63, %dma_wait3A_64] : memref<12288x64xf32, #tpu.memory_space<hbm>> -> memref<12288x64xf32, #tpu.memory_space<hbm>>
        tpu.wait_indirect_dma semaphore(%arg14 : memref<!tpu.dma_semaphore, #tpu.memory_space<semaphore_mem>>) src(%dma_wait3A_65 : memref<12288x64xf32, #tpu.memory_space<hbm>>) dst(%arg12 : memref<128x64xf32, #tpu.memory_space<vmem>>)
        %scan3A_66 = arith.constant 0 : i32
        %scan3A_67 = arith.constant 0 : i32
        %scan3A_68 = arith.constant 128 : i32
        %scan3A_69 = arith.addi %scan3A_67, %scan3A_68 : i32
        %scan3A_70 = arith.constant 1 : i32
        scf.for %scan3A_72 = %scan3A_67 to %scan3A_69 step %scan3A_70  : i32 {
          %get3A = arith.index_cast %scan3A_72 : i32 to index
          %get3A_73 = arith.constant 0 : index
          %get3A_74 = tpu.vector_load %arg11[%get3A, %get3A_73] {strides = array<i32>} : memref<128x16xf32, #tpu.memory_space<vmem>>, vector<1x16xf32>,
          %get3A_75 = vector.shape_cast %get3A_74 : vector<1x16xf32> to vector<16xf32>
          %get3A_76 = arith.index_cast %scan3A_72 : i32 to index
          %get3A_77 = arith.constant 0 : index
          %get3A_78 = tpu.vector_load %arg12[%get3A_76, %get3A_77] {strides = array<i32>} : memref<128x64xf32, #tpu.memory_space<vmem>>, vector<1x16xf32>,
          %get3A_79 = vector.shape_cast %get3A_78 : vector<1x16xf32> to vector<16xf32>
          %mul3A_80 = arith.mulf %get3A_79, %get3A_75 : vector<16xf32>
          %swap3A = arith.index_cast %scan3A_72 : i32 to index
          %swap3A_81 = arith.constant 0 : index
          %swap3A_82 = tpu.vector_load %arg12[%swap3A, %swap3A_81] {strides = array<i32>} : memref<128x64xf32, #tpu.memory_space<vmem>>, vector<1x16xf32>,
          %swap3A_83 = vector.shape_cast %swap3A_82 : vector<1x16xf32> to vector<16xf32>
          %swap3A_84 = vector.shape_cast %mul3A_80 : vector<16xf32> to vector<1x16xf32>
          tpu.vector_store %arg12[%swap3A, %swap3A_81], %swap3A_84 {strides = array<i32>} : memref<128x64xf32, #tpu.memory_space<vmem>>, vector<1x16xf32>,
          %get3A_85 = arith.index_cast %scan3A_72 : i32 to index
          %get3A_86 = arith.constant 16 : index
          %get3A_87 = tpu.vector_load %arg12[%get3A_85, %get3A_86] {strides = array<i32>} : memref<128x64xf32, #tpu.memory_space<vmem>>, vector<1x16xf32>,
          %get3A_88 = vector.shape_cast %get3A_87 : vector<1x16xf32> to vector<16xf32>
          %mul3A_89 = arith.mulf %get3A_88, %get3A_75 : vector<16xf32>
          %swap3A_90 = arith.index_cast %scan3A_72 : i32 to index
          %swap3A_91 = arith.constant 16 : index
          %swap3A_92 = tpu.vector_load %arg12[%swap3A_90, %swap3A_91] {strides = array<i32>} : memref<128x64xf32, #tpu.memory_space<vmem>>, vector<1x16xf32>,
          %swap3A_93 = vector.shape_cast %swap3A_92 : vector<1x16xf32> to vector<16xf32>
          %swap3A_94 = vector.shape_cast %mul3A_89 : vector<16xf32> to vector<1x16xf32>
          tpu.vector_store %arg12[%swap3A_90, %swap3A_91], %swap3A_94 {strides = array<i32>} : memref<128x64xf32, #tpu.memory_space<vmem>>, vector<1x16xf32>,
          %get3A_95 = arith.index_cast %scan3A_72 : i32 to index
          %get3A_96 = arith.constant 32 : index
          %get3A_97 = tpu.vector_load %arg12[%get3A_95, %get3A_96] {strides = array<i32>} : memref<128x64xf32, #tpu.memory_space<vmem>>, vector<1x16xf32>,
          %get3A_98 = vector.shape_cast %get3A_97 : vector<1x16xf32> to vector<16xf32>
          %mul3A_99 = arith.mulf %get3A_98, %get3A_75 : vector<16xf32>
          %swap3A_100 = arith.index_cast %scan3A_72 : i32 to index
          %swap3A_101 = arith.constant 32 : index
          %swap3A_102 = tpu.vector_load %arg12[%swap3A_100, %swap3A_101] {strides = array<i32>} : memref<128x64xf32, #tpu.memory_space<vmem>>, vector<1x16xf32>,
          %swap3A_103 = vector.shape_cast %swap3A_102 : vector<1x16xf32> to vector<16xf32>
          %swap3A_104 = vector.shape_cast %mul3A_99 : vector<16xf32> to vector<1x16xf32>
          tpu.vector_store %arg12[%swap3A_100, %swap3A_101], %swap3A_104 {strides = array<i32>} : memref<128x64xf32, #tpu.memory_space<vmem>>, vector<1x16xf32>,
          %get3A_105 = arith.index_cast %scan3A_72 : i32 to index
          %get3A_106 = arith.constant 48 : index
          %get3A_107 = tpu.vector_load %arg12[%get3A_105, %get3A_106] {strides = array<i32>} : memref<128x64xf32, #tpu.memory_space<vmem>>, vector<1x16xf32>,
          %get3A_108 = vector.shape_cast %get3A_107 : vector<1x16xf32> to vector<16xf32>
          %mul3A_109 = arith.mulf %get3A_108, %get3A_75 : vector<16xf32>
          %swap3A_110 = arith.index_cast %scan3A_72 : i32 to index
          %swap3A_111 = arith.constant 48 : index
          %swap3A_112 = tpu.vector_load %arg12[%swap3A_110, %swap3A_111] {strides = array<i32>} : memref<128x64xf32, #tpu.memory_space<vmem>>, vector<1x16xf32>,
          %swap3A_113 = vector.shape_cast %swap3A_112 : vector<1x16xf32> to vector<16xf32>
          %swap3A_114 = vector.shape_cast %mul3A_109 : vector<16xf32> to vector<1x16xf32>
          tpu.vector_store %arg12[%swap3A_110, %swap3A_111], %swap3A_114 {strides = array<i32>} : memref<128x64xf32, #tpu.memory_space<vmem>>, vector<1x16xf32>,
        }
        %scan3A_71 = arith.constant 128 : i32
        "tpu.region"() ({
          %run_scoped3A = tpu.sem_alloc : memref<!tpu.dma_semaphore, #tpu.memory_space<semaphore_mem>>
          %dma_start3A_72 = arith.constant 0 : i32
          %dma_start3A_73 = tpu.memref_slice %arg10[%scan3A_54, %dma_start3A_72] : memref<48x128xi32, #tpu.memory_space<vmem>> -> memref<1x128xi32, #tpu.memory_space<vmem>>
          %dma_start3A_74 = tpu.memref_squeeze %dma_start3A_73 : memref<1x128xi32, #tpu.memory_space<vmem>> -> memref<128xi32, #tpu.memory_space<vmem>>
          %dma_start3A_75 = arith.constant 0 : i32
          %dma_start3A_76 = arith.constant 0 : i32
          %dma_start3A_77 = tpu.memref_slice %arg13[%dma_start3A_75, %dma_start3A_76] : memref<12288x64xf32, #tpu.memory_space<vmem_shared>> -> memref<12288x64xf32, #tpu.memory_space<vmem_shared>>
          tpu.enqueue_indirect_dma source(%arg12 : memref<128x64xf32, #tpu.memory_space<vmem>>) target(%dma_start3A_77 : memref<12288x64xf32, #tpu.memory_space<vmem_shared>>) offsets(%dma_start3A_74 : memref<128xi32, #tpu.memory_space<vmem>>) semaphore(%run_scoped3A : memref<!tpu.dma_semaphore, #tpu.memory_space<semaphore_mem>>) {add = true}
          %dma_wait3A_78 = arith.constant 0 : i32
          %dma_wait3A_79 = tpu.memref_slice %arg10[%scan3A_54, %dma_wait3A_78] : memref<48x128xi32, #tpu.memory_space<vmem>> -> memref<1x128xi32, #tpu.memory_space<vmem>>
          %dma_wait3A_80 = tpu.memref_squeeze %dma_wait3A_79 : memref<1x128xi32, #tpu.memory_space<vmem>> -> memref<128xi32, #tpu.memory_space<vmem>>
          %dma_wait3A_81 = arith.constant 0 : i32
          %dma_wait3A_82 = arith.constant 0 : i32
          %dma_wait3A_83 = tpu.memref_slice %arg13[%dma_wait3A_81, %dma_wait3A_82] : memref<12288x64xf32, #tpu.memory_space<vmem_shared>> -> memref<12288x64xf32, #tpu.memory_space<vmem_shared>>
          tpu.wait_indirect_dma semaphore(%run_scoped3A : memref<!tpu.dma_semaphore, #tpu.memory_space<semaphore_mem>>) src(%arg12 : memref<128x64xf32, #tpu.memory_space<vmem>>) dst(%dma_wait3A_83 : memref<12288x64xf32, #tpu.memory_space<vmem_shared>>)
          tpu.yield
        }) : () -> ()
      }
      %scan3A_53 = arith.constant 48 : i32
    } else {
    }
    %eq3A_32 = arith.constant 1 : i32
    %eq3A_33 = arith.cmpi eq, %arg0, %eq3A_32 : i32
    %convert_element_type3A_34 = arith.extui %eq3A_33 : i1 to i32
    %cond3A_35 = arith.constant 0 : i32
    %cond3A_36 = arith.cmpi ne, %convert_element_type3A_34, %cond3A_35 : i32
    scf.if %cond3A_36 {
      %scan3A_48 = arith.constant 0 : i32
      %scan3A_49 = arith.constant 0 : i32
      %scan3A_50 = arith.constant 48 : i32
      %scan3A_51 = arith.addi %scan3A_49, %scan3A_50 : i32
      %scan3A_52 = arith.constant 1 : i32
      scf.for %scan3A_54 = %scan3A_49 to %scan3A_51 step %scan3A_52  : i32 {
        %dma_start3A = arith.constant 0 : i32
        %dma_start3A_55 = tpu.memref_slice %arg9[%scan3A_54, %dma_start3A] : memref<48x128xi32, #tpu.memory_space<vmem>> -> memref<1x128xi32, #tpu.memory_space<vmem>>
        %dma_start3A_56 = tpu.memref_squeeze %dma_start3A_55 : memref<1x128xi32, #tpu.memory_space<vmem>> -> memref<128xi32, #tpu.memory_space<vmem>>
        %dma_start3A_57 = arith.constant 0 : i32
        %dma_start3A_58 = arith.constant 0 : i32
        %dma_start3A_59 = tpu.memref_slice %arg3[%dma_start3A_57, %dma_start3A_58] : memref<12288x64xf32, #tpu.memory_space<hbm>> -> memref<12288x64xf32, #tpu.memory_space<hbm>>
        tpu.enqueue_indirect_dma source(%dma_start3A_59 : memref<12288x64xf32, #tpu.memory_space<hbm>>) target(%arg12 : memref<128x64xf32, #tpu.memory_space<vmem>>) offsets(%dma_start3A_56 : memref<128xi32, #tpu.memory_space<vmem>>) semaphore(%arg14 : memref<!tpu.dma_semaphore, #tpu.memory_space<semaphore_mem>>)
        %add3A_60 = arith.addi %mul3A_29, %scan3A_54 : i32
        "tpu.region"() ({
          %run_scoped3A = tpu.sem_alloc : memref<!tpu.dma_semaphore, #tpu.memory_space<semaphore_mem>>
          %dma_start3A_72 = arith.constant 0 : i32
          %dma_start3A_73 = arith.constant 0 : i32
          %dma_start3A_74 = tpu.memref_slice %arg6[%add3A_60, %dma_start3A_72, %dma_start3A_73] : memref<768x128x16xf32, #tpu.memory_space<hbm>> -> memref<1x128x16xf32, #tpu.memory_space<hbm>>
          %dma_start3A_75 = tpu.memref_squeeze %dma_start3A_74 : memref<1x128x16xf32, #tpu.memory_space<hbm>> -> memref<128x16xf32, #tpu.memory_space<hbm>>
          %dma_start3A_76 = arith.constant 0 : i32
          %dma_start3A_77 = arith.constant 0 : i32
          %dma_start3A_78 = tpu.memref_slice %arg6[%add3A_60, %dma_start3A_76, %dma_start3A_77] : memref<768x128x16xf32, #tpu.memory_space<hbm>> -> memref<1x128x16xf32, #tpu.memory_space<hbm>>
          %dma_start3A_79 = tpu.memref_squeeze %dma_start3A_78 : memref<1x128x16xf32, #tpu.memory_space<hbm>> -> memref<128x16xf32, #tpu.memory_space<hbm>>
          tpu.enqueue_dma source(%dma_start3A_79 : memref<128x16xf32, #tpu.memory_space<hbm>>) target(%arg11 : memref<128x16xf32, #tpu.memory_space<vmem>>) target_semaphore(%run_scoped3A : memref<!tpu.dma_semaphore, #tpu.memory_space<semaphore_mem>>)
          %dma_wait3A_80 = arith.constant 0 : i32
          %dma_wait3A_81 = arith.constant 0 : i32
          %dma_wait3A_82 = tpu.memref_slice %arg6[%add3A_60, %dma_wait3A_80, %dma_wait3A_81] : memref<768x128x16xf32, #tpu.memory_space<hbm>> -> memref<1x128x16xf32, #tpu.memory_space<hbm>>
          %dma_wait3A_83 = tpu.memref_squeeze %dma_wait3A_82 : memref<1x128x16xf32, #tpu.memory_space<hbm>> -> memref<128x16xf32, #tpu.memory_space<hbm>>
          %dma_wait3A_84 = arith.constant 0 : i32
          %dma_wait3A_85 = arith.constant 0 : i32
          %dma_wait3A_86 = tpu.memref_slice %arg6[%add3A_60, %dma_wait3A_84, %dma_wait3A_85] : memref<768x128x16xf32, #tpu.memory_space<hbm>> -> memref<1x128x16xf32, #tpu.memory_space<hbm>>
          %dma_wait3A_87 = tpu.memref_squeeze %dma_wait3A_86 : memref<1x128x16xf32, #tpu.memory_space<hbm>> -> memref<128x16xf32, #tpu.memory_space<hbm>>
          tpu.wait_dma2 semaphore(%run_scoped3A : memref<!tpu.dma_semaphore, #tpu.memory_space<semaphore_mem>>) src(%dma_wait3A_87 : memref<128x16xf32, #tpu.memory_space<hbm>>) dst(%arg11 : memref<128x16xf32, #tpu.memory_space<vmem>>)
          tpu.yield
        }) : () -> ()
        %dma_wait3A = arith.constant 0 : i32
        %dma_wait3A_61 = tpu.memref_slice %arg9[%scan3A_54, %dma_wait3A] : memref<48x128xi32, #tpu.memory_space<vmem>> -> memref<1x128xi32, #tpu.memory_space<vmem>>
        %dma_wait3A_62 = tpu.memref_squeeze %dma_wait3A_61 : memref<1x128xi32, #tpu.memory_space<vmem>> -> memref<128xi32, #tpu.memory_space<vmem>>
        %dma_wait3A_63 = arith.constant 0 : i32
        %dma_wait3A_64 = arith.constant 0 : i32
        %dma_wait3A_65 = tpu.memref_slice %arg3[%dma_wait3A_63, %dma_wait3A_64] : memref<12288x64xf32, #tpu.memory_space<hbm>> -> memref<12288x64xf32, #tpu.memory_space<hbm>>
        tpu.wait_indirect_dma semaphore(%arg14 : memref<!tpu.dma_semaphore, #tpu.memory_space<semaphore_mem>>) src(%dma_wait3A_65 : memref<12288x64xf32, #tpu.memory_space<hbm>>) dst(%arg12 : memref<128x64xf32, #tpu.memory_space<vmem>>)
        %scan3A_66 = arith.constant 0 : i32
        %scan3A_67 = arith.constant 0 : i32
        %scan3A_68 = arith.constant 128 : i32
        %scan3A_69 = arith.addi %scan3A_67, %scan3A_68 : i32
        %scan3A_70 = arith.constant 1 : i32
        scf.for %scan3A_72 = %scan3A_67 to %scan3A_69 step %scan3A_70  : i32 {
          %get3A = arith.index_cast %scan3A_72 : i32 to index
          %get3A_73 = arith.constant 0 : index
          %get3A_74 = tpu.vector_load %arg11[%get3A, %get3A_73] {strides = array<i32>} : memref<128x16xf32, #tpu.memory_space<vmem>>, vector<1x16xf32>,
          %get3A_75 = vector.shape_cast %get3A_74 : vector<1x16xf32> to vector<16xf32>
          %get3A_76 = arith.index_cast %scan3A_72 : i32 to index
          %get3A_77 = arith.constant 0 : index
          %get3A_78 = tpu.vector_load %arg12[%get3A_76, %get3A_77] {strides = array<i32>} : memref<128x64xf32, #tpu.memory_space<vmem>>, vector<1x16xf32>,
          %get3A_79 = vector.shape_cast %get3A_78 : vector<1x16xf32> to vector<16xf32>
          %mul3A_80 = arith.mulf %get3A_79, %get3A_75 : vector<16xf32>
          %swap3A = arith.index_cast %scan3A_72 : i32 to index
          %swap3A_81 = arith.constant 0 : index
          %swap3A_82 = tpu.vector_load %arg12[%swap3A, %swap3A_81] {strides = array<i32>} : memref<128x64xf32, #tpu.memory_space<vmem>>, vector<1x16xf32>,
          %swap3A_83 = vector.shape_cast %swap3A_82 : vector<1x16xf32> to vector<16xf32>
          %swap3A_84 = vector.shape_cast %mul3A_80 : vector<16xf32> to vector<1x16xf32>
          tpu.vector_store %arg12[%swap3A, %swap3A_81], %swap3A_84 {strides = array<i32>} : memref<128x64xf32, #tpu.memory_space<vmem>>, vector<1x16xf32>,
          %get3A_85 = arith.index_cast %scan3A_72 : i32 to index
          %get3A_86 = arith.constant 16 : index
          %get3A_87 = tpu.vector_load %arg12[%get3A_85, %get3A_86] {strides = array<i32>} : memref<128x64xf32, #tpu.memory_space<vmem>>, vector<1x16xf32>,
          %get3A_88 = vector.shape_cast %get3A_87 : vector<1x16xf32> to vector<16xf32>
          %mul3A_89 = arith.mulf %get3A_88, %get3A_75 : vector<16xf32>
          %swap3A_90 = arith.index_cast %scan3A_72 : i32 to index
          %swap3A_91 = arith.constant 16 : index
          %swap3A_92 = tpu.vector_load %arg12[%swap3A_90, %swap3A_91] {strides = array<i32>} : memref<128x64xf32, #tpu.memory_space<vmem>>, vector<1x16xf32>,
          %swap3A_93 = vector.shape_cast %swap3A_92 : vector<1x16xf32> to vector<16xf32>
          %swap3A_94 = vector.shape_cast %mul3A_89 : vector<16xf32> to vector<1x16xf32>
          tpu.vector_store %arg12[%swap3A_90, %swap3A_91], %swap3A_94 {strides = array<i32>} : memref<128x64xf32, #tpu.memory_space<vmem>>, vector<1x16xf32>,
          %get3A_95 = arith.index_cast %scan3A_72 : i32 to index
          %get3A_96 = arith.constant 32 : index
          %get3A_97 = tpu.vector_load %arg12[%get3A_95, %get3A_96] {strides = array<i32>} : memref<128x64xf32, #tpu.memory_space<vmem>>, vector<1x16xf32>,
          %get3A_98 = vector.shape_cast %get3A_97 : vector<1x16xf32> to vector<16xf32>
          %mul3A_99 = arith.mulf %get3A_98, %get3A_75 : vector<16xf32>
          %swap3A_100 = arith.index_cast %scan3A_72 : i32 to index
          %swap3A_101 = arith.constant 32 : index
          %swap3A_102 = tpu.vector_load %arg12[%swap3A_100, %swap3A_101] {strides = array<i32>} : memref<128x64xf32, #tpu.memory_space<vmem>>, vector<1x16xf32>,
          %swap3A_103 = vector.shape_cast %swap3A_102 : vector<1x16xf32> to vector<16xf32>
          %swap3A_104 = vector.shape_cast %mul3A_99 : vector<16xf32> to vector<1x16xf32>
          tpu.vector_store %arg12[%swap3A_100, %swap3A_101], %swap3A_104 {strides = array<i32>} : memref<128x64xf32, #tpu.memory_space<vmem>>, vector<1x16xf32>,
          %get3A_105 = arith.index_cast %scan3A_72 : i32 to index
          %get3A_106 = arith.constant 48 : index
          %get3A_107 = tpu.vector_load %arg12[%get3A_105, %get3A_106] {strides = array<i32>} : memref<128x64xf32, #tpu.memory_space<vmem>>, vector<1x16xf32>,
          %get3A_108 = vector.shape_cast %get3A_107 : vector<1x16xf32> to vector<16xf32>
          %mul3A_109 = arith.mulf %get3A_108, %get3A_75 : vector<16xf32>
          %swap3A_110 = arith.index_cast %scan3A_72 : i32 to index
          %swap3A_111 = arith.constant 48 : index
          %swap3A_112 = tpu.vector_load %arg12[%swap3A_110, %swap3A_111] {strides = array<i32>} : memref<128x64xf32, #tpu.memory_space<vmem>>, vector<1x16xf32>,
          %swap3A_113 = vector.shape_cast %swap3A_112 : vector<1x16xf32> to vector<16xf32>
          %swap3A_114 = vector.shape_cast %mul3A_109 : vector<16xf32> to vector<1x16xf32>
          tpu.vector_store %arg12[%swap3A_110, %swap3A_111], %swap3A_114 {strides = array<i32>} : memref<128x64xf32, #tpu.memory_space<vmem>>, vector<1x16xf32>,
        }
        %scan3A_71 = arith.constant 128 : i32
        "tpu.region"() ({
          %run_scoped3A = tpu.sem_alloc : memref<!tpu.dma_semaphore, #tpu.memory_space<semaphore_mem>>
          %dma_start3A_72 = arith.constant 0 : i32
          %dma_start3A_73 = tpu.memref_slice %arg10[%scan3A_54, %dma_start3A_72] : memref<48x128xi32, #tpu.memory_space<vmem>> -> memref<1x128xi32, #tpu.memory_space<vmem>>
          %dma_start3A_74 = tpu.memref_squeeze %dma_start3A_73 : memref<1x128xi32, #tpu.memory_space<vmem>> -> memref<128xi32, #tpu.memory_space<vmem>>
          %dma_start3A_75 = arith.constant 0 : i32
          %dma_start3A_76 = arith.constant 0 : i32
          %dma_start3A_77 = tpu.memref_slice %arg13[%dma_start3A_75, %dma_start3A_76] : memref<12288x64xf32, #tpu.memory_space<vmem_shared>> -> memref<12288x64xf32, #tpu.memory_space<vmem_shared>>
          tpu.enqueue_indirect_dma source(%arg12 : memref<128x64xf32, #tpu.memory_space<vmem>>) target(%dma_start3A_77 : memref<12288x64xf32, #tpu.memory_space<vmem_shared>>) offsets(%dma_start3A_74 : memref<128xi32, #tpu.memory_space<vmem>>) semaphore(%run_scoped3A : memref<!tpu.dma_semaphore, #tpu.memory_space<semaphore_mem>>) {add = true}
          %dma_wait3A_78 = arith.constant 0 : i32
          %dma_wait3A_79 = tpu.memref_slice %arg10[%scan3A_54, %dma_wait3A_78] : memref<48x128xi32, #tpu.memory_space<vmem>> -> memref<1x128xi32, #tpu.memory_space<vmem>>
          %dma_wait3A_80 = tpu.memref_squeeze %dma_wait3A_79 : memref<1x128xi32, #tpu.memory_space<vmem>> -> memref<128xi32, #tpu.memory_space<vmem>>
          %dma_wait3A_81 = arith.constant 0 : i32
          %dma_wait3A_82 = arith.constant 0 : i32
          %dma_wait3A_83 = tpu.memref_slice %arg13[%dma_wait3A_81, %dma_wait3A_82] : memref<12288x64xf32, #tpu.memory_space<vmem_shared>> -> memref<12288x64xf32, #tpu.memory_space<vmem_shared>>
          tpu.wait_indirect_dma semaphore(%run_scoped3A : memref<!tpu.dma_semaphore, #tpu.memory_space<semaphore_mem>>) src(%arg12 : memref<128x64xf32, #tpu.memory_space<vmem>>) dst(%dma_wait3A_83 : memref<12288x64xf32, #tpu.memory_space<vmem_shared>>)
          tpu.yield
        }) : () -> ()
      }
      %scan3A_53 = arith.constant 48 : i32
    } else {
    }
    %barrier3A_37 = arith.constant 0 : index
    tpu.barrier barrier_id(%barrier3A_37)
    %eq3A_38 = arith.constant 0 : i32
    %eq3A_39 = arith.cmpi eq, %arg0, %eq3A_38 : i32
    %convert_element_type3A_40 = arith.extui %eq3A_39 : i1 to i32
    %cond3A_41 = arith.constant 0 : i32
    %cond3A_42 = arith.cmpi ne, %convert_element_type3A_40, %cond3A_41 : i32
    scf.if %cond3A_42 {
      %mul3A_48 = arith.constant 768 : i32
      %mul3A_49 = arith.muli %arg1, %mul3A_48 : i32
      %add3A_50 = arith.constant 0 : i32
      %add3A_51 = arith.addi %mul3A_49, %add3A_50 : i32
      "tpu.region"() ({
        %run_scoped3A = tpu.sem_alloc : memref<!tpu.dma_semaphore, #tpu.memory_space<semaphore_mem>>
        %dma_start3A = arith.constant 0 : i32
        %dma_start3A_72 = tpu.memref_slice %arg7[%add3A_51, %dma_start3A] : memref<12288x64xf32, #tpu.memory_space<hbm>> -> memref<128x64xf32, #tpu.memory_space<hbm>>
        %dma_start3A_73 = arith.constant 0 : i32
        %dma_start3A_74 = tpu.memref_slice %arg13[%add3A_51, %dma_start3A_73] : memref<12288x64xf32, #tpu.memory_space<vmem_shared>> -> memref<128x64xf32, #tpu.memory_space<vmem_shared>>
        tpu.enqueue_dma source(%dma_start3A_74 : memref<128x64xf32, #tpu.memory_space<vmem_shared>>) target(%dma_start3A_72 : memref<128x64xf32, #tpu.memory_space<hbm>>) target_semaphore(%run_scoped3A : memref<!tpu.dma_semaphore, #tpu.memory_space<semaphore_mem>>)
        %dma_wait3A = arith.constant 0 : i32
        %dma_wait3A_75 = tpu.memref_slice %arg7[%add3A_51, %dma_wait3A] : memref<12288x64xf32, #tpu.memory_space<hbm>> -> memref<128x64xf32, #tpu.memory_space<hbm>>
        %dma_wait3A_76 = arith.constant 0 : i32
        %dma_wait3A_77 = tpu.memref_slice %arg13[%add3A_51, %dma_wait3A_76] : memref<12288x64xf32, #tpu.memory_space<vmem_shared>> -> memref<128x64xf32, #tpu.memory_space<vmem_shared>>
        tpu.wait_dma2 semaphore(%run_scoped3A : memref<!tpu.dma_semaphore, #tpu.memory_space<semaphore_mem>>) src(%dma_wait3A_77 : memref<128x64xf32, #tpu.memory_space<vmem_shared>>) dst(%dma_wait3A_75 : memref<128x64xf32, #tpu.memory_space<hbm>>)
        tpu.yield
      }) : () -> ()
      %mul3A_52 = arith.constant 768 : i32
      %mul3A_53 = arith.muli %arg1, %mul3A_52 : i32
      %add3A_54 = arith.constant 128 : i32
      %add3A_55 = arith.addi %mul3A_53, %add3A_54 : i32
      "tpu.region"() ({
        %run_scoped3A = tpu.sem_alloc : memref<!tpu.dma_semaphore, #tpu.memory_space<semaphore_mem>>
        %dma_start3A = arith.constant 0 : i32
        %dma_start3A_72 = tpu.memref_slice %arg7[%add3A_55, %dma_start3A] : memref<12288x64xf32, #tpu.memory_space<hbm>> -> memref<128x64xf32, #tpu.memory_space<hbm>>
        %dma_start3A_73 = arith.constant 0 : i32
        %dma_start3A_74 = tpu.memref_slice %arg13[%add3A_55, %dma_start3A_73] : memref<12288x64xf32, #tpu.memory_space<vmem_shared>> -> memref<128x64xf32, #tpu.memory_space<vmem_shared>>
        tpu.enqueue_dma source(%dma_start3A_74 : memref<128x64xf32, #tpu.memory_space<vmem_shared>>) target(%dma_start3A_72 : memref<128x64xf32, #tpu.memory_space<hbm>>) target_semaphore(%run_scoped3A : memref<!tpu.dma_semaphore, #tpu.memory_space<semaphore_mem>>)
        %dma_wait3A = arith.constant 0 : i32
        %dma_wait3A_75 = tpu.memref_slice %arg7[%add3A_55, %dma_wait3A] : memref<12288x64xf32, #tpu.memory_space<hbm>> -> memref<128x64xf32, #tpu.memory_space<hbm>>
        %dma_wait3A_76 = arith.constant 0 : i32
        %dma_wait3A_77 = tpu.memref_slice %arg13[%add3A_55, %dma_wait3A_76] : memref<12288x64xf32, #tpu.memory_space<vmem_shared>> -> memref<128x64xf32, #tpu.memory_space<vmem_shared>>
        tpu.wait_dma2 semaphore(%run_scoped3A : memref<!tpu.dma_semaphore, #tpu.memory_space<semaphore_mem>>) src(%dma_wait3A_77 : memref<128x64xf32, #tpu.memory_space<vmem_shared>>) dst(%dma_wait3A_75 : memref<128x64xf32, #tpu.memory_space<hbm>>)
        tpu.yield
      }) : () -> ()
      %mul3A_56 = arith.constant 768 : i32
      %mul3A_57 = arith.muli %arg1, %mul3A_56 : i32
      %add3A_58 = arith.constant 256 : i32
      %add3A_59 = arith.addi %mul3A_57, %add3A_58 : i32
      "tpu.region"() ({
        %run_scoped3A = tpu.sem_alloc : memref<!tpu.dma_semaphore, #tpu.memory_space<semaphore_mem>>
        %dma_start3A = arith.constant 0 : i32
        %dma_start3A_72 = tpu.memref_slice %arg7[%add3A_59, %dma_start3A] : memref<12288x64xf32, #tpu.memory_space<hbm>> -> memref<128x64xf32, #tpu.memory_space<hbm>>
        %dma_start3A_73 = arith.constant 0 : i32
        %dma_start3A_74 = tpu.memref_slice %arg13[%add3A_59, %dma_start3A_73] : memref<12288x64xf32, #tpu.memory_space<vmem_shared>> -> memref<128x64xf32, #tpu.memory_space<vmem_shared>>
        tpu.enqueue_dma source(%dma_start3A_74 : memref<128x64xf32, #tpu.memory_space<vmem_shared>>) target(%dma_start3A_72 : memref<128x64xf32, #tpu.memory_space<hbm>>) target_semaphore(%run_scoped3A : memref<!tpu.dma_semaphore, #tpu.memory_space<semaphore_mem>>)
        %dma_wait3A = arith.constant 0 : i32
        %dma_wait3A_75 = tpu.memref_slice %arg7[%add3A_59, %dma_wait3A] : memref<12288x64xf32, #tpu.memory_space<hbm>> -> memref<128x64xf32, #tpu.memory_space<hbm>>
        %dma_wait3A_76 = arith.constant 0 : i32
        %dma_wait3A_77 = tpu.memref_slice %arg13[%add3A_59, %dma_wait3A_76] : memref<12288x64xf32, #tpu.memory_space<vmem_shared>> -> memref<128x64xf32, #tpu.memory_space<vmem_shared>>
        tpu.wait_dma2 semaphore(%run_scoped3A : memref<!tpu.dma_semaphore, #tpu.memory_space<semaphore_mem>>) src(%dma_wait3A_77 : memref<128x64xf32, #tpu.memory_space<vmem_shared>>) dst(%dma_wait3A_75 : memref<128x64xf32, #tpu.memory_space<hbm>>)
        tpu.yield
      }) : () -> ()
      %mul3A_60 = arith.constant 768 : i32
      %mul3A_61 = arith.muli %arg1, %mul3A_60 : i32
      %add3A_62 = arith.constant 384 : i32
      %add3A_63 = arith.addi %mul3A_61, %add3A_62 : i32
      "tpu.region"() ({
        %run_scoped3A = tpu.sem_alloc : memref<!tpu.dma_semaphore, #tpu.memory_space<semaphore_mem>>
        %dma_start3A = arith.constant 0 : i32
        %dma_start3A_72 = tpu.memref_slice %arg7[%add3A_63, %dma_start3A] : memref<12288x64xf32, #tpu.memory_space<hbm>> -> memref<128x64xf32, #tpu.memory_space<hbm>>
        %dma_start3A_73 = arith.constant 0 : i32
        %dma_start3A_74 = tpu.memref_slice %arg13[%add3A_63, %dma_start3A_73] : memref<12288x64xf32, #tpu.memory_space<vmem_shared>> -> memref<128x64xf32, #tpu.memory_space<vmem_shared>>
        tpu.enqueue_dma source(%dma_start3A_74 : memref<128x64xf32, #tpu.memory_space<vmem_shared>>) target(%dma_start3A_72 : memref<128x64xf32, #tpu.memory_space<hbm>>) target_semaphore(%run_scoped3A : memref<!tpu.dma_semaphore, #tpu.memory_space<semaphore_mem>>)
        %dma_wait3A = arith.constant 0 : i32
        %dma_wait3A_75 = tpu.memref_slice %arg7[%add3A_63, %dma_wait3A] : memref<12288x64xf32, #tpu.memory_space<hbm>> -> memref<128x64xf32, #tpu.memory_space<hbm>>
        %dma_wait3A_76 = arith.constant 0 : i32
        %dma_wait3A_77 = tpu.memref_slice %arg13[%add3A_63, %dma_wait3A_76] : memref<12288x64xf32, #tpu.memory_space<vmem_shared>> -> memref<128x64xf32, #tpu.memory_space<vmem_shared>>
        tpu.wait_dma2 semaphore(%run_scoped3A : memref<!tpu.dma_semaphore, #tpu.memory_space<semaphore_mem>>) src(%dma_wait3A_77 : memref<128x64xf32, #tpu.memory_space<vmem_shared>>) dst(%dma_wait3A_75 : memref<128x64xf32, #tpu.memory_space<hbm>>)
        tpu.yield
      }) : () -> ()
      %mul3A_64 = arith.constant 768 : i32
      %mul3A_65 = arith.muli %arg1, %mul3A_64 : i32
      %add3A_66 = arith.constant 512 : i32
      %add3A_67 = arith.addi %mul3A_65, %add3A_66 : i32
      "tpu.region"() ({
        %run_scoped3A = tpu.sem_alloc : memref<!tpu.dma_semaphore, #tpu.memory_space<semaphore_mem>>
        %dma_start3A = arith.constant 0 : i32
        %dma_start3A_72 = tpu.memref_slice %arg7[%add3A_67, %dma_start3A] : memref<12288x64xf32, #tpu.memory_space<hbm>> -> memref<128x64xf32, #tpu.memory_space<hbm>>
        %dma_start3A_73 = arith.constant 0 : i32
        %dma_start3A_74 = tpu.memref_slice %arg13[%add3A_67, %dma_start3A_73] : memref<12288x64xf32, #tpu.memory_space<vmem_shared>> -> memref<128x64xf32, #tpu.memory_space<vmem_shared>>
        tpu.enqueue_dma source(%dma_start3A_74 : memref<128x64xf32, #tpu.memory_space<vmem_shared>>) target(%dma_start3A_72 : memref<128x64xf32, #tpu.memory_space<hbm>>) target_semaphore(%run_scoped3A : memref<!tpu.dma_semaphore, #tpu.memory_space<semaphore_mem>>)
        %dma_wait3A = arith.constant 0 : i32
        %dma_wait3A_75 = tpu.memref_slice %arg7[%add3A_67, %dma_wait3A] : memref<12288x64xf32, #tpu.memory_space<hbm>> -> memref<128x64xf32, #tpu.memory_space<hbm>>
        %dma_wait3A_76 = arith.constant 0 : i32
        %dma_wait3A_77 = tpu.memref_slice %arg13[%add3A_67, %dma_wait3A_76] : memref<12288x64xf32, #tpu.memory_space<vmem_shared>> -> memref<128x64xf32, #tpu.memory_space<vmem_shared>>
        tpu.wait_dma2 semaphore(%run_scoped3A : memref<!tpu.dma_semaphore, #tpu.memory_space<semaphore_mem>>) src(%dma_wait3A_77 : memref<128x64xf32, #tpu.memory_space<vmem_shared>>) dst(%dma_wait3A_75 : memref<128x64xf32, #tpu.memory_space<hbm>>)
        tpu.yield
      }) : () -> ()
      %mul3A_68 = arith.constant 768 : i32
      %mul3A_69 = arith.muli %arg1, %mul3A_68 : i32
      %add3A_70 = arith.constant 640 : i32
      %add3A_71 = arith.addi %mul3A_69, %add3A_70 : i32
      "tpu.region"() ({
        %run_scoped3A = tpu.sem_alloc : memref<!tpu.dma_semaphore, #tpu.memory_space<semaphore_mem>>
        %dma_start3A = arith.constant 0 : i32
        %dma_start3A_72 = tpu.memref_slice %arg7[%add3A_71, %dma_start3A] : memref<12288x64xf32, #tpu.memory_space<hbm>> -> memref<128x64xf32, #tpu.memory_space<hbm>>
        %dma_start3A_73 = arith.constant 0 : i32
        %dma_start3A_74 = tpu.memref_slice %arg13[%add3A_71, %dma_start3A_73] : memref<12288x64xf32, #tpu.memory_space<vmem_shared>> -> memref<128x64xf32, #tpu.memory_space<vmem_shared>>
        tpu.enqueue_dma source(%dma_start3A_74 : memref<128x64xf32, #tpu.memory_space<vmem_shared>>) target(%dma_start3A_72 : memref<128x64xf32, #tpu.memory_space<hbm>>) target_semaphore(%run_scoped3A : memref<!tpu.dma_semaphore, #tpu.memory_space<semaphore_mem>>)
        %dma_wait3A = arith.constant 0 : i32
        %dma_wait3A_75 = tpu.memref_slice %arg7[%add3A_71, %dma_wait3A] : memref<12288x64xf32, #tpu.memory_space<hbm>> -> memref<128x64xf32, #tpu.memory_space<hbm>>
        %dma_wait3A_76 = arith.constant 0 : i32
        %dma_wait3A_77 = tpu.memref_slice %arg13[%add3A_71, %dma_wait3A_76] : memref<12288x64xf32, #tpu.memory_space<vmem_shared>> -> memref<128x64xf32, #tpu.memory_space<vmem_shared>>
        tpu.wait_dma2 semaphore(%run_scoped3A : memref<!tpu.dma_semaphore, #tpu.memory_space<semaphore_mem>>) src(%dma_wait3A_77 : memref<128x64xf32, #tpu.memory_space<vmem_shared>>) dst(%dma_wait3A_75 : memref<128x64xf32, #tpu.memory_space<hbm>>)
        tpu.yield
      }) : () -> ()
    } else {
    }
    %eq3A_43 = arith.constant 1 : i32
    %eq3A_44 = arith.cmpi eq, %arg0, %eq3A_43 : i32
    %convert_element_type3A_45 = arith.extui %eq3A_44 : i1 to i32
    %cond3A_46 = arith.constant 0 : i32
    %cond3A_47 = arith.cmpi ne, %convert_element_type3A_45, %cond3A_46 : i32
    scf.if %cond3A_47 {
      %mul3A_48 = arith.constant 768 : i32
      %mul3A_49 = arith.muli %arg1, %mul3A_48 : i32
      %add3A_50 = arith.constant 0 : i32
      %add3A_51 = arith.addi %mul3A_49, %add3A_50 : i32
      "tpu.region"() ({
        %run_scoped3A = tpu.sem_alloc : memref<!tpu.dma_semaphore, #tpu.memory_space<semaphore_mem>>
        %dma_start3A = arith.constant 0 : i32
        %dma_start3A_72 = tpu.memref_slice %arg8[%add3A_51, %dma_start3A] : memref<12288x64xf32, #tpu.memory_space<hbm>> -> memref<128x64xf32, #tpu.memory_space<hbm>>
        %dma_start3A_73 = arith.constant 0 : i32
        %dma_start3A_74 = tpu.memref_slice %arg13[%add3A_51, %dma_start3A_73] : memref<12288x64xf32, #tpu.memory_space<vmem_shared>> -> memref<128x64xf32, #tpu.memory_space<vmem_shared>>
        tpu.enqueue_dma source(%dma_start3A_74 : memref<128x64xf32, #tpu.memory_space<vmem_shared>>) target(%dma_start3A_72 : memref<128x64xf32, #tpu.memory_space<hbm>>) target_semaphore(%run_scoped3A : memref<!tpu.dma_semaphore, #tpu.memory_space<semaphore_mem>>)
        %dma_wait3A = arith.constant 0 : i32
        %dma_wait3A_75 = tpu.memref_slice %arg8[%add3A_51, %dma_wait3A] : memref<12288x64xf32, #tpu.memory_space<hbm>> -> memref<128x64xf32, #tpu.memory_space<hbm>>
        %dma_wait3A_76 = arith.constant 0 : i32
        %dma_wait3A_77 = tpu.memref_slice %arg13[%add3A_51, %dma_wait3A_76] : memref<12288x64xf32, #tpu.memory_space<vmem_shared>> -> memref<128x64xf32, #tpu.memory_space<vmem_shared>>
        tpu.wait_dma2 semaphore(%run_scoped3A : memref<!tpu.dma_semaphore, #tpu.memory_space<semaphore_mem>>) src(%dma_wait3A_77 : memref<128x64xf32, #tpu.memory_space<vmem_shared>>) dst(%dma_wait3A_75 : memref<128x64xf32, #tpu.memory_space<hbm>>)
        tpu.yield
      }) : () -> ()
      %mul3A_52 = arith.constant 768 : i32
      %mul3A_53 = arith.muli %arg1, %mul3A_52 : i32
      %add3A_54 = arith.constant 128 : i32
      %add3A_55 = arith.addi %mul3A_53, %add3A_54 : i32
      "tpu.region"() ({
        %run_scoped3A = tpu.sem_alloc : memref<!tpu.dma_semaphore, #tpu.memory_space<semaphore_mem>>
        %dma_start3A = arith.constant 0 : i32
        %dma_start3A_72 = tpu.memref_slice %arg8[%add3A_55, %dma_start3A] : memref<12288x64xf32, #tpu.memory_space<hbm>> -> memref<128x64xf32, #tpu.memory_space<hbm>>
        %dma_start3A_73 = arith.constant 0 : i32
        %dma_start3A_74 = tpu.memref_slice %arg13[%add3A_55, %dma_start3A_73] : memref<12288x64xf32, #tpu.memory_space<vmem_shared>> -> memref<128x64xf32, #tpu.memory_space<vmem_shared>>
        tpu.enqueue_dma source(%dma_start3A_74 : memref<128x64xf32, #tpu.memory_space<vmem_shared>>) target(%dma_start3A_72 : memref<128x64xf32, #tpu.memory_space<hbm>>) target_semaphore(%run_scoped3A : memref<!tpu.dma_semaphore, #tpu.memory_space<semaphore_mem>>)
        %dma_wait3A = arith.constant 0 : i32
        %dma_wait3A_75 = tpu.memref_slice %arg8[%add3A_55, %dma_wait3A] : memref<12288x64xf32, #tpu.memory_space<hbm>> -> memref<128x64xf32, #tpu.memory_space<hbm>>
        %dma_wait3A_76 = arith.constant 0 : i32
        %dma_wait3A_77 = tpu.memref_slice %arg13[%add3A_55, %dma_wait3A_76] : memref<12288x64xf32, #tpu.memory_space<vmem_shared>> -> memref<128x64xf32, #tpu.memory_space<vmem_shared>>
        tpu.wait_dma2 semaphore(%run_scoped3A : memref<!tpu.dma_semaphore, #tpu.memory_space<semaphore_mem>>) src(%dma_wait3A_77 : memref<128x64xf32, #tpu.memory_space<vmem_shared>>) dst(%dma_wait3A_75 : memref<128x64xf32, #tpu.memory_space<hbm>>)
        tpu.yield
      }) : () -> ()
      %mul3A_56 = arith.constant 768 : i32
      %mul3A_57 = arith.muli %arg1, %mul3A_56 : i32
      %add3A_58 = arith.constant 256 : i32
      %add3A_59 = arith.addi %mul3A_57, %add3A_58 : i32
      "tpu.region"() ({
        %run_scoped3A = tpu.sem_alloc : memref<!tpu.dma_semaphore, #tpu.memory_space<semaphore_mem>>
        %dma_start3A = arith.constant 0 : i32
        %dma_start3A_72 = tpu.memref_slice %arg8[%add3A_59, %dma_start3A] : memref<12288x64xf32, #tpu.memory_space<hbm>> -> memref<128x64xf32, #tpu.memory_space<hbm>>
        %dma_start3A_73 = arith.constant 0 : i32
        %dma_start3A_74 = tpu.memref_slice %arg13[%add3A_59, %dma_start3A_73] : memref<12288x64xf32, #tpu.memory_space<vmem_shared>> -> memref<128x64xf32, #tpu.memory_space<vmem_shared>>
        tpu.enqueue_dma source(%dma_start3A_74 : memref<128x64xf32, #tpu.memory_space<vmem_shared>>) target(%dma_start3A_72 : memref<128x64xf32, #tpu.memory_space<hbm>>) target_semaphore(%run_scoped3A : memref<!tpu.dma_semaphore, #tpu.memory_space<semaphore_mem>>)
        %dma_wait3A = arith.constant 0 : i32
        %dma_wait3A_75 = tpu.memref_slice %arg8[%add3A_59, %dma_wait3A] : memref<12288x64xf32, #tpu.memory_space<hbm>> -> memref<128x64xf32, #tpu.memory_space<hbm>>
        %dma_wait3A_76 = arith.constant 0 : i32
        %dma_wait3A_77 = tpu.memref_slice %arg13[%add3A_59, %dma_wait3A_76] : memref<12288x64xf32, #tpu.memory_space<vmem_shared>> -> memref<128x64xf32, #tpu.memory_space<vmem_shared>>
        tpu.wait_dma2 semaphore(%run_scoped3A : memref<!tpu.dma_semaphore, #tpu.memory_space<semaphore_mem>>) src(%dma_wait3A_77 : memref<128x64xf32, #tpu.memory_space<vmem_shared>>) dst(%dma_wait3A_75 : memref<128x64xf32, #tpu.memory_space<hbm>>)
        tpu.yield
      }) : () -> ()
      %mul3A_60 = arith.constant 768 : i32
      %mul3A_61 = arith.muli %arg1, %mul3A_60 : i32
      %add3A_62 = arith.constant 384 : i32
      %add3A_63 = arith.addi %mul3A_61, %add3A_62 : i32
      "tpu.region"() ({
        %run_scoped3A = tpu.sem_alloc : memref<!tpu.dma_semaphore, #tpu.memory_space<semaphore_mem>>
        %dma_start3A = arith.constant 0 : i32
        %dma_start3A_72 = tpu.memref_slice %arg8[%add3A_63, %dma_start3A] : memref<12288x64xf32, #tpu.memory_space<hbm>> -> memref<128x64xf32, #tpu.memory_space<hbm>>
        %dma_start3A_73 = arith.constant 0 : i32
        %dma_start3A_74 = tpu.memref_slice %arg13[%add3A_63, %dma_start3A_73] : memref<12288x64xf32, #tpu.memory_space<vmem_shared>> -> memref<128x64xf32, #tpu.memory_space<vmem_shared>>
        tpu.enqueue_dma source(%dma_start3A_74 : memref<128x64xf32, #tpu.memory_space<vmem_shared>>) target(%dma_start3A_72 : memref<128x64xf32, #tpu.memory_space<hbm>>) target_semaphore(%run_scoped3A : memref<!tpu.dma_semaphore, #tpu.memory_space<semaphore_mem>>)
        %dma_wait3A = arith.constant 0 : i32
        %dma_wait3A_75 = tpu.memref_slice %arg8[%add3A_63, %dma_wait3A] : memref<12288x64xf32, #tpu.memory_space<hbm>> -> memref<128x64xf32, #tpu.memory_space<hbm>>
        %dma_wait3A_76 = arith.constant 0 : i32
        %dma_wait3A_77 = tpu.memref_slice %arg13[%add3A_63, %dma_wait3A_76] : memref<12288x64xf32, #tpu.memory_space<vmem_shared>> -> memref<128x64xf32, #tpu.memory_space<vmem_shared>>
        tpu.wait_dma2 semaphore(%run_scoped3A : memref<!tpu.dma_semaphore, #tpu.memory_space<semaphore_mem>>) src(%dma_wait3A_77 : memref<128x64xf32, #tpu.memory_space<vmem_shared>>) dst(%dma_wait3A_75 : memref<128x64xf32, #tpu.memory_space<hbm>>)
        tpu.yield
      }) : () -> ()
      %mul3A_64 = arith.constant 768 : i32
      %mul3A_65 = arith.muli %arg1, %mul3A_64 : i32
      %add3A_66 = arith.constant 512 : i32
      %add3A_67 = arith.addi %mul3A_65, %add3A_66 : i32
      "tpu.region"() ({
        %run_scoped3A = tpu.sem_alloc : memref<!tpu.dma_semaphore, #tpu.memory_space<semaphore_mem>>
        %dma_start3A = arith.constant 0 : i32
        %dma_start3A_72 = tpu.memref_slice %arg8[%add3A_67, %dma_start3A] : memref<12288x64xf32, #tpu.memory_space<hbm>> -> memref<128x64xf32, #tpu.memory_space<hbm>>
        %dma_start3A_73 = arith.constant 0 : i32
        %dma_start3A_74 = tpu.memref_slice %arg13[%add3A_67, %dma_start3A_73] : memref<12288x64xf32, #tpu.memory_space<vmem_shared>> -> memref<128x64xf32, #tpu.memory_space<vmem_shared>>
        tpu.enqueue_dma source(%dma_start3A_74 : memref<128x64xf32, #tpu.memory_space<vmem_shared>>) target(%dma_start3A_72 : memref<128x64xf32, #tpu.memory_space<hbm>>) target_semaphore(%run_scoped3A : memref<!tpu.dma_semaphore, #tpu.memory_space<semaphore_mem>>)
        %dma_wait3A = arith.constant 0 : i32
        %dma_wait3A_75 = tpu.memref_slice %arg8[%add3A_67, %dma_wait3A] : memref<12288x64xf32, #tpu.memory_space<hbm>> -> memref<128x64xf32, #tpu.memory_space<hbm>>
        %dma_wait3A_76 = arith.constant 0 : i32
        %dma_wait3A_77 = tpu.memref_slice %arg13[%add3A_67, %dma_wait3A_76] : memref<12288x64xf32, #tpu.memory_space<vmem_shared>> -> memref<128x64xf32, #tpu.memory_space<vmem_shared>>
        tpu.wait_dma2 semaphore(%run_scoped3A : memref<!tpu.dma_semaphore, #tpu.memory_space<semaphore_mem>>) src(%dma_wait3A_77 : memref<128x64xf32, #tpu.memory_space<vmem_shared>>) dst(%dma_wait3A_75 : memref<128x64xf32, #tpu.memory_space<hbm>>)
        tpu.yield
      }) : () -> ()
      %mul3A_68 = arith.constant 768 : i32
      %mul3A_69 = arith.muli %arg1, %mul3A_68 : i32
      %add3A_70 = arith.constant 640 : i32
      %add3A_71 = arith.addi %mul3A_69, %add3A_70 : i32
      "tpu.region"() ({
        %run_scoped3A = tpu.sem_alloc : memref<!tpu.dma_semaphore, #tpu.memory_space<semaphore_mem>>
        %dma_start3A = arith.constant 0 : i32
        %dma_start3A_72 = tpu.memref_slice %arg8[%add3A_71, %dma_start3A] : memref<12288x64xf32, #tpu.memory_space<hbm>> -> memref<128x64xf32, #tpu.memory_space<hbm>>
        %dma_start3A_73 = arith.constant 0 : i32
        %dma_start3A_74 = tpu.memref_slice %arg13[%add3A_71, %dma_start3A_73] : memref<12288x64xf32, #tpu.memory_space<vmem_shared>> -> memref<128x64xf32, #tpu.memory_space<vmem_shared>>
        tpu.enqueue_dma source(%dma_start3A_74 : memref<128x64xf32, #tpu.memory_space<vmem_shared>>) target(%dma_start3A_72 : memref<128x64xf32, #tpu.memory_space<hbm>>) target_semaphore(%run_scoped3A : memref<!tpu.dma_semaphore, #tpu.memory_space<semaphore_mem>>)
        %dma_wait3A = arith.constant 0 : i32
        %dma_wait3A_75 = tpu.memref_slice %arg8[%add3A_71, %dma_wait3A] : memref<12288x64xf32, #tpu.memory_space<hbm>> -> memref<128x64xf32, #tpu.memory_space<hbm>>
        %dma_wait3A_76 = arith.constant 0 : i32
        %dma_wait3A_77 = tpu.memref_slice %arg13[%add3A_71, %dma_wait3A_76] : memref<12288x64xf32, #tpu.memory_space<vmem_shared>> -> memref<128x64xf32, #tpu.memory_space<vmem_shared>>
        tpu.wait_dma2 semaphore(%run_scoped3A : memref<!tpu.dma_semaphore, #tpu.memory_space<semaphore_mem>>) src(%dma_wait3A_77 : memref<128x64xf32, #tpu.memory_space<vmem_shared>>) dst(%dma_wait3A_75 : memref<128x64xf32, #tpu.memory_space<hbm>>)
        tpu.yield
      }) : () -> ()
    } else {
    }
    return
  }
}

#map = affine_map<(d0, d1) -> (0, 0)>
#map1 = affine_map<(d0, d1) -> (0, 0, 0)>
module attributes {stable_mosaic.version = 14 : i64} {
  func.func @edge_kernel(%arg0: i32, %arg1: i32, %arg2: memref<12288x32xf32, #tpu.memory_space<hbm>>, %arg3: memref<12288x32xf32, #tpu.memory_space<hbm>>, %arg4: memref<768x128xi32, #tpu.memory_space<hbm>>, %arg5: memref<768x128xi32, #tpu.memory_space<hbm>>, %arg6: memref<768x128x16xf32, #tpu.memory_space<hbm>>, %arg7: memref<12288x32xf32, #tpu.memory_space<hbm>>, %arg8: memref<12288x32xf32, #tpu.memory_space<hbm>>, %arg9: memref<48x128xi32, #tpu.memory_space<vmem>>, %arg10: memref<48x128xi32, #tpu.memory_space<vmem>>, %arg11: memref<128x16xf32, #tpu.memory_space<vmem>>, %arg12: memref<128x32xf32, #tpu.memory_space<vmem>>, %arg13: memref<12288x32xf32, #tpu.memory_space<vmem_shared>>, %arg14: memref<!tpu.dma_semaphore, #tpu.memory_space<semaphore_mem>>) attributes {dimension_semantics = [#tpu.dimension_semantics<core_parallel>, #tpu.dimension_semantics<subcore_parallel>], iteration_bounds = array<i64: 2, 16>, scalar_prefetch = 0 : i64, scratch_operands = 6 : i64, tpu.core_type = #tpu.core_type<sc_vector_subcore>, window_params = [{transform_indices = #map}, {transform_indices = #map}, {transform_indices = #map}, {transform_indices = #map}, {transform_indices = #map1}, {transform_indices = #map}, {transform_indices = #map}]} {
    %broadcast_in_dim3A = arith.constant 0.000000e+00 : f32
    %broadcast_in_dim3A_0 = vector.broadcast %broadcast_in_dim3A : f32 to vector<16xf32>
    %scan3A = arith.constant 0 : i32
    %scan3A_1 = arith.constant 0 : i32
    %scan3A_2 = arith.constant 128 : i32
    %scan3A_3 = arith.addi %scan3A_1, %scan3A_2 : i32
    %scan3A_4 = arith.constant 1 : i32
    scf.for %scan3A_48 = %scan3A_1 to %scan3A_3 step %scan3A_4  : i32 {
      %swap3A = arith.index_cast %scan3A_48 : i32 to index
      %swap3A_49 = arith.constant 0 : index
      %swap3A_50 = tpu.vector_load %arg12[%swap3A, %swap3A_49] {strides = array<i32>} : memref<128x32xf32, #tpu.memory_space<vmem>>, vector<1x16xf32>,
      %swap3A_51 = vector.shape_cast %swap3A_50 : vector<1x16xf32> to vector<16xf32>
      %swap3A_52 = vector.shape_cast %broadcast_in_dim3A_0 : vector<16xf32> to vector<1x16xf32>
      tpu.vector_store %arg12[%swap3A, %swap3A_49], %swap3A_52 {strides = array<i32>} : memref<128x32xf32, #tpu.memory_space<vmem>>, vector<1x16xf32>,
      %swap3A_53 = arith.index_cast %scan3A_48 : i32 to index
      %swap3A_54 = arith.constant 16 : index
      %swap3A_55 = tpu.vector_load %arg12[%swap3A_53, %swap3A_54] {strides = array<i32>} : memref<128x32xf32, #tpu.memory_space<vmem>>, vector<1x16xf32>,
      %swap3A_56 = vector.shape_cast %swap3A_55 : vector<1x16xf32> to vector<16xf32>
      %swap3A_57 = vector.shape_cast %broadcast_in_dim3A_0 : vector<16xf32> to vector<1x16xf32>
      tpu.vector_store %arg12[%swap3A_53, %swap3A_54], %swap3A_57 {strides = array<i32>} : memref<128x32xf32, #tpu.memory_space<vmem>>, vector<1x16xf32>,
    }
    %scan3A_5 = arith.constant 128 : i32
    %mul3A = arith.constant 768 : i32
    %mul3A_6 = arith.muli %arg1, %mul3A : i32
    %add3A = arith.constant 0 : i32
    %add3A_7 = arith.addi %mul3A_6, %add3A : i32
    "tpu.region"() ({
      %run_scoped3A = tpu.sem_alloc : memref<!tpu.dma_semaphore, #tpu.memory_space<semaphore_mem>>
      %dma_start3A = arith.constant 0 : i32
      %dma_start3A_48 = tpu.memref_slice %arg13[%add3A_7, %dma_start3A] : memref<12288x32xf32, #tpu.memory_space<vmem_shared>> -> memref<128x32xf32, #tpu.memory_space<vmem_shared>>
      %dma_start3A_49 = arith.constant 0 : i32
      %dma_start3A_50 = tpu.memref_slice %arg13[%add3A_7, %dma_start3A_49] : memref<12288x32xf32, #tpu.memory_space<vmem_shared>> -> memref<128x32xf32, #tpu.memory_space<vmem_shared>>
      tpu.enqueue_dma source(%arg12 : memref<128x32xf32, #tpu.memory_space<vmem>>) target(%dma_start3A_50 : memref<128x32xf32, #tpu.memory_space<vmem_shared>>) target_semaphore(%run_scoped3A : memref<!tpu.dma_semaphore, #tpu.memory_space<semaphore_mem>>)
      %dma_wait3A = arith.constant 0 : i32
      %dma_wait3A_51 = tpu.memref_slice %arg13[%add3A_7, %dma_wait3A] : memref<12288x32xf32, #tpu.memory_space<vmem_shared>> -> memref<128x32xf32, #tpu.memory_space<vmem_shared>>
      %dma_wait3A_52 = arith.constant 0 : i32
      %dma_wait3A_53 = tpu.memref_slice %arg13[%add3A_7, %dma_wait3A_52] : memref<12288x32xf32, #tpu.memory_space<vmem_shared>> -> memref<128x32xf32, #tpu.memory_space<vmem_shared>>
      tpu.wait_dma2 semaphore(%run_scoped3A : memref<!tpu.dma_semaphore, #tpu.memory_space<semaphore_mem>>) src(%arg12 : memref<128x32xf32, #tpu.memory_space<vmem>>) dst(%dma_wait3A_53 : memref<128x32xf32, #tpu.memory_space<vmem_shared>>)
      tpu.yield
    }) : () -> ()
    %mul3A_8 = arith.constant 768 : i32
    %mul3A_9 = arith.muli %arg1, %mul3A_8 : i32
    %add3A_10 = arith.constant 128 : i32
    %add3A_11 = arith.addi %mul3A_9, %add3A_10 : i32
    "tpu.region"() ({
      %run_scoped3A = tpu.sem_alloc : memref<!tpu.dma_semaphore, #tpu.memory_space<semaphore_mem>>
      %dma_start3A = arith.constant 0 : i32
      %dma_start3A_48 = tpu.memref_slice %arg13[%add3A_11, %dma_start3A] : memref<12288x32xf32, #tpu.memory_space<vmem_shared>> -> memref<128x32xf32, #tpu.memory_space<vmem_shared>>
      %dma_start3A_49 = arith.constant 0 : i32
      %dma_start3A_50 = tpu.memref_slice %arg13[%add3A_11, %dma_start3A_49] : memref<12288x32xf32, #tpu.memory_space<vmem_shared>> -> memref<128x32xf32, #tpu.memory_space<vmem_shared>>
      tpu.enqueue_dma source(%arg12 : memref<128x32xf32, #tpu.memory_space<vmem>>) target(%dma_start3A_50 : memref<128x32xf32, #tpu.memory_space<vmem_shared>>) target_semaphore(%run_scoped3A : memref<!tpu.dma_semaphore, #tpu.memory_space<semaphore_mem>>)
      %dma_wait3A = arith.constant 0 : i32
      %dma_wait3A_51 = tpu.memref_slice %arg13[%add3A_11, %dma_wait3A] : memref<12288x32xf32, #tpu.memory_space<vmem_shared>> -> memref<128x32xf32, #tpu.memory_space<vmem_shared>>
      %dma_wait3A_52 = arith.constant 0 : i32
      %dma_wait3A_53 = tpu.memref_slice %arg13[%add3A_11, %dma_wait3A_52] : memref<12288x32xf32, #tpu.memory_space<vmem_shared>> -> memref<128x32xf32, #tpu.memory_space<vmem_shared>>
      tpu.wait_dma2 semaphore(%run_scoped3A : memref<!tpu.dma_semaphore, #tpu.memory_space<semaphore_mem>>) src(%arg12 : memref<128x32xf32, #tpu.memory_space<vmem>>) dst(%dma_wait3A_53 : memref<128x32xf32, #tpu.memory_space<vmem_shared>>)
      tpu.yield
    }) : () -> ()
    %mul3A_12 = arith.constant 768 : i32
    %mul3A_13 = arith.muli %arg1, %mul3A_12 : i32
    %add3A_14 = arith.constant 256 : i32
    %add3A_15 = arith.addi %mul3A_13, %add3A_14 : i32
    "tpu.region"() ({
      %run_scoped3A = tpu.sem_alloc : memref<!tpu.dma_semaphore, #tpu.memory_space<semaphore_mem>>
      %dma_start3A = arith.constant 0 : i32
      %dma_start3A_48 = tpu.memref_slice %arg13[%add3A_15, %dma_start3A] : memref<12288x32xf32, #tpu.memory_space<vmem_shared>> -> memref<128x32xf32, #tpu.memory_space<vmem_shared>>
      %dma_start3A_49 = arith.constant 0 : i32
      %dma_start3A_50 = tpu.memref_slice %arg13[%add3A_15, %dma_start3A_49] : memref<12288x32xf32, #tpu.memory_space<vmem_shared>> -> memref<128x32xf32, #tpu.memory_space<vmem_shared>>
      tpu.enqueue_dma source(%arg12 : memref<128x32xf32, #tpu.memory_space<vmem>>) target(%dma_start3A_50 : memref<128x32xf32, #tpu.memory_space<vmem_shared>>) target_semaphore(%run_scoped3A : memref<!tpu.dma_semaphore, #tpu.memory_space<semaphore_mem>>)
      %dma_wait3A = arith.constant 0 : i32
      %dma_wait3A_51 = tpu.memref_slice %arg13[%add3A_15, %dma_wait3A] : memref<12288x32xf32, #tpu.memory_space<vmem_shared>> -> memref<128x32xf32, #tpu.memory_space<vmem_shared>>
      %dma_wait3A_52 = arith.constant 0 : i32
      %dma_wait3A_53 = tpu.memref_slice %arg13[%add3A_15, %dma_wait3A_52] : memref<12288x32xf32, #tpu.memory_space<vmem_shared>> -> memref<128x32xf32, #tpu.memory_space<vmem_shared>>
      tpu.wait_dma2 semaphore(%run_scoped3A : memref<!tpu.dma_semaphore, #tpu.memory_space<semaphore_mem>>) src(%arg12 : memref<128x32xf32, #tpu.memory_space<vmem>>) dst(%dma_wait3A_53 : memref<128x32xf32, #tpu.memory_space<vmem_shared>>)
      tpu.yield
    }) : () -> ()
    %mul3A_16 = arith.constant 768 : i32
    %mul3A_17 = arith.muli %arg1, %mul3A_16 : i32
    %add3A_18 = arith.constant 384 : i32
    %add3A_19 = arith.addi %mul3A_17, %add3A_18 : i32
    "tpu.region"() ({
      %run_scoped3A = tpu.sem_alloc : memref<!tpu.dma_semaphore, #tpu.memory_space<semaphore_mem>>
      %dma_start3A = arith.constant 0 : i32
      %dma_start3A_48 = tpu.memref_slice %arg13[%add3A_19, %dma_start3A] : memref<12288x32xf32, #tpu.memory_space<vmem_shared>> -> memref<128x32xf32, #tpu.memory_space<vmem_shared>>
      %dma_start3A_49 = arith.constant 0 : i32
      %dma_start3A_50 = tpu.memref_slice %arg13[%add3A_19, %dma_start3A_49] : memref<12288x32xf32, #tpu.memory_space<vmem_shared>> -> memref<128x32xf32, #tpu.memory_space<vmem_shared>>
      tpu.enqueue_dma source(%arg12 : memref<128x32xf32, #tpu.memory_space<vmem>>) target(%dma_start3A_50 : memref<128x32xf32, #tpu.memory_space<vmem_shared>>) target_semaphore(%run_scoped3A : memref<!tpu.dma_semaphore, #tpu.memory_space<semaphore_mem>>)
      %dma_wait3A = arith.constant 0 : i32
      %dma_wait3A_51 = tpu.memref_slice %arg13[%add3A_19, %dma_wait3A] : memref<12288x32xf32, #tpu.memory_space<vmem_shared>> -> memref<128x32xf32, #tpu.memory_space<vmem_shared>>
      %dma_wait3A_52 = arith.constant 0 : i32
      %dma_wait3A_53 = tpu.memref_slice %arg13[%add3A_19, %dma_wait3A_52] : memref<12288x32xf32, #tpu.memory_space<vmem_shared>> -> memref<128x32xf32, #tpu.memory_space<vmem_shared>>
      tpu.wait_dma2 semaphore(%run_scoped3A : memref<!tpu.dma_semaphore, #tpu.memory_space<semaphore_mem>>) src(%arg12 : memref<128x32xf32, #tpu.memory_space<vmem>>) dst(%dma_wait3A_53 : memref<128x32xf32, #tpu.memory_space<vmem_shared>>)
      tpu.yield
    }) : () -> ()
    %mul3A_20 = arith.constant 768 : i32
    %mul3A_21 = arith.muli %arg1, %mul3A_20 : i32
    %add3A_22 = arith.constant 512 : i32
    %add3A_23 = arith.addi %mul3A_21, %add3A_22 : i32
    "tpu.region"() ({
      %run_scoped3A = tpu.sem_alloc : memref<!tpu.dma_semaphore, #tpu.memory_space<semaphore_mem>>
      %dma_start3A = arith.constant 0 : i32
      %dma_start3A_48 = tpu.memref_slice %arg13[%add3A_23, %dma_start3A] : memref<12288x32xf32, #tpu.memory_space<vmem_shared>> -> memref<128x32xf32, #tpu.memory_space<vmem_shared>>
      %dma_start3A_49 = arith.constant 0 : i32
      %dma_start3A_50 = tpu.memref_slice %arg13[%add3A_23, %dma_start3A_49] : memref<12288x32xf32, #tpu.memory_space<vmem_shared>> -> memref<128x32xf32, #tpu.memory_space<vmem_shared>>
      tpu.enqueue_dma source(%arg12 : memref<128x32xf32, #tpu.memory_space<vmem>>) target(%dma_start3A_50 : memref<128x32xf32, #tpu.memory_space<vmem_shared>>) target_semaphore(%run_scoped3A : memref<!tpu.dma_semaphore, #tpu.memory_space<semaphore_mem>>)
      %dma_wait3A = arith.constant 0 : i32
      %dma_wait3A_51 = tpu.memref_slice %arg13[%add3A_23, %dma_wait3A] : memref<12288x32xf32, #tpu.memory_space<vmem_shared>> -> memref<128x32xf32, #tpu.memory_space<vmem_shared>>
      %dma_wait3A_52 = arith.constant 0 : i32
      %dma_wait3A_53 = tpu.memref_slice %arg13[%add3A_23, %dma_wait3A_52] : memref<12288x32xf32, #tpu.memory_space<vmem_shared>> -> memref<128x32xf32, #tpu.memory_space<vmem_shared>>
      tpu.wait_dma2 semaphore(%run_scoped3A : memref<!tpu.dma_semaphore, #tpu.memory_space<semaphore_mem>>) src(%arg12 : memref<128x32xf32, #tpu.memory_space<vmem>>) dst(%dma_wait3A_53 : memref<128x32xf32, #tpu.memory_space<vmem_shared>>)
      tpu.yield
    }) : () -> ()
    %mul3A_24 = arith.constant 768 : i32
    %mul3A_25 = arith.muli %arg1, %mul3A_24 : i32
    %add3A_26 = arith.constant 640 : i32
    %add3A_27 = arith.addi %mul3A_25, %add3A_26 : i32
    "tpu.region"() ({
      %run_scoped3A = tpu.sem_alloc : memref<!tpu.dma_semaphore, #tpu.memory_space<semaphore_mem>>
      %dma_start3A = arith.constant 0 : i32
      %dma_start3A_48 = tpu.memref_slice %arg13[%add3A_27, %dma_start3A] : memref<12288x32xf32, #tpu.memory_space<vmem_shared>> -> memref<128x32xf32, #tpu.memory_space<vmem_shared>>
      %dma_start3A_49 = arith.constant 0 : i32
      %dma_start3A_50 = tpu.memref_slice %arg13[%add3A_27, %dma_start3A_49] : memref<12288x32xf32, #tpu.memory_space<vmem_shared>> -> memref<128x32xf32, #tpu.memory_space<vmem_shared>>
      tpu.enqueue_dma source(%arg12 : memref<128x32xf32, #tpu.memory_space<vmem>>) target(%dma_start3A_50 : memref<128x32xf32, #tpu.memory_space<vmem_shared>>) target_semaphore(%run_scoped3A : memref<!tpu.dma_semaphore, #tpu.memory_space<semaphore_mem>>)
      %dma_wait3A = arith.constant 0 : i32
      %dma_wait3A_51 = tpu.memref_slice %arg13[%add3A_27, %dma_wait3A] : memref<12288x32xf32, #tpu.memory_space<vmem_shared>> -> memref<128x32xf32, #tpu.memory_space<vmem_shared>>
      %dma_wait3A_52 = arith.constant 0 : i32
      %dma_wait3A_53 = tpu.memref_slice %arg13[%add3A_27, %dma_wait3A_52] : memref<12288x32xf32, #tpu.memory_space<vmem_shared>> -> memref<128x32xf32, #tpu.memory_space<vmem_shared>>
      tpu.wait_dma2 semaphore(%run_scoped3A : memref<!tpu.dma_semaphore, #tpu.memory_space<semaphore_mem>>) src(%arg12 : memref<128x32xf32, #tpu.memory_space<vmem>>) dst(%dma_wait3A_53 : memref<128x32xf32, #tpu.memory_space<vmem_shared>>)
      tpu.yield
    }) : () -> ()
    %mul3A_28 = arith.constant 48 : i32
    %mul3A_29 = arith.muli %arg1, %mul3A_28 : i32
    "tpu.region"() ({
      %run_scoped3A = tpu.sem_alloc : memref<!tpu.dma_semaphore, #tpu.memory_space<semaphore_mem>>
      %dma_start3A = arith.constant 0 : i32
      %dma_start3A_48 = tpu.memref_slice %arg4[%mul3A_29, %dma_start3A] : memref<768x128xi32, #tpu.memory_space<hbm>> -> memref<48x128xi32, #tpu.memory_space<hbm>>
      %dma_start3A_49 = arith.constant 0 : i32
      %dma_start3A_50 = tpu.memref_slice %arg4[%mul3A_29, %dma_start3A_49] : memref<768x128xi32, #tpu.memory_space<hbm>> -> memref<48x128xi32, #tpu.memory_space<hbm>>
      tpu.enqueue_dma source(%dma_start3A_50 : memref<48x128xi32, #tpu.memory_space<hbm>>) target(%arg9 : memref<48x128xi32, #tpu.memory_space<vmem>>) target_semaphore(%run_scoped3A : memref<!tpu.dma_semaphore, #tpu.memory_space<semaphore_mem>>)
      %dma_wait3A = arith.constant 0 : i32
      %dma_wait3A_51 = tpu.memref_slice %arg4[%mul3A_29, %dma_wait3A] : memref<768x128xi32, #tpu.memory_space<hbm>> -> memref<48x128xi32, #tpu.memory_space<hbm>>
      %dma_wait3A_52 = arith.constant 0 : i32
      %dma_wait3A_53 = tpu.memref_slice %arg4[%mul3A_29, %dma_wait3A_52] : memref<768x128xi32, #tpu.memory_space<hbm>> -> memref<48x128xi32, #tpu.memory_space<hbm>>
      tpu.wait_dma2 semaphore(%run_scoped3A : memref<!tpu.dma_semaphore, #tpu.memory_space<semaphore_mem>>) src(%dma_wait3A_53 : memref<48x128xi32, #tpu.memory_space<hbm>>) dst(%arg9 : memref<48x128xi32, #tpu.memory_space<vmem>>)
      tpu.yield
    }) : () -> ()
    "tpu.region"() ({
      %run_scoped3A = tpu.sem_alloc : memref<!tpu.dma_semaphore, #tpu.memory_space<semaphore_mem>>
      %dma_start3A = arith.constant 0 : i32
      %dma_start3A_48 = tpu.memref_slice %arg5[%mul3A_29, %dma_start3A] : memref<768x128xi32, #tpu.memory_space<hbm>> -> memref<48x128xi32, #tpu.memory_space<hbm>>
      %dma_start3A_49 = arith.constant 0 : i32
      %dma_start3A_50 = tpu.memref_slice %arg5[%mul3A_29, %dma_start3A_49] : memref<768x128xi32, #tpu.memory_space<hbm>> -> memref<48x128xi32, #tpu.memory_space<hbm>>
      tpu.enqueue_dma source(%dma_start3A_50 : memref<48x128xi32, #tpu.memory_space<hbm>>) target(%arg10 : memref<48x128xi32, #tpu.memory_space<vmem>>) target_semaphore(%run_scoped3A : memref<!tpu.dma_semaphore, #tpu.memory_space<semaphore_mem>>)
      %dma_wait3A = arith.constant 0 : i32
      %dma_wait3A_51 = tpu.memref_slice %arg5[%mul3A_29, %dma_wait3A] : memref<768x128xi32, #tpu.memory_space<hbm>> -> memref<48x128xi32, #tpu.memory_space<hbm>>
      %dma_wait3A_52 = arith.constant 0 : i32
      %dma_wait3A_53 = tpu.memref_slice %arg5[%mul3A_29, %dma_wait3A_52] : memref<768x128xi32, #tpu.memory_space<hbm>> -> memref<48x128xi32, #tpu.memory_space<hbm>>
      tpu.wait_dma2 semaphore(%run_scoped3A : memref<!tpu.dma_semaphore, #tpu.memory_space<semaphore_mem>>) src(%dma_wait3A_53 : memref<48x128xi32, #tpu.memory_space<hbm>>) dst(%arg10 : memref<48x128xi32, #tpu.memory_space<vmem>>)
      tpu.yield
    }) : () -> ()
    %barrier3A = arith.constant 0 : index
    tpu.barrier barrier_id(%barrier3A)
    %eq3A = arith.constant 0 : i32
    %eq3A_30 = arith.cmpi eq, %arg0, %eq3A : i32
    %convert_element_type3A = arith.extui %eq3A_30 : i1 to i32
    %cond3A = arith.constant 0 : i32
    %cond3A_31 = arith.cmpi ne, %convert_element_type3A, %cond3A : i32
    scf.if %cond3A_31 {
      %scan3A_48 = arith.constant 0 : i32
      %scan3A_49 = arith.constant 0 : i32
      %scan3A_50 = arith.constant 48 : i32
      %scan3A_51 = arith.addi %scan3A_49, %scan3A_50 : i32
      %scan3A_52 = arith.constant 1 : i32
      scf.for %scan3A_54 = %scan3A_49 to %scan3A_51 step %scan3A_52  : i32 {
        %dma_start3A = arith.constant 0 : i32
        %dma_start3A_55 = tpu.memref_slice %arg9[%scan3A_54, %dma_start3A] : memref<48x128xi32, #tpu.memory_space<vmem>> -> memref<1x128xi32, #tpu.memory_space<vmem>>
        %dma_start3A_56 = tpu.memref_squeeze %dma_start3A_55 : memref<1x128xi32, #tpu.memory_space<vmem>> -> memref<128xi32, #tpu.memory_space<vmem>>
        %dma_start3A_57 = arith.constant 0 : i32
        %dma_start3A_58 = arith.constant 0 : i32
        %dma_start3A_59 = tpu.memref_slice %arg2[%dma_start3A_57, %dma_start3A_58] : memref<12288x32xf32, #tpu.memory_space<hbm>> -> memref<12288x32xf32, #tpu.memory_space<hbm>>
        tpu.enqueue_indirect_dma source(%dma_start3A_59 : memref<12288x32xf32, #tpu.memory_space<hbm>>) target(%arg12 : memref<128x32xf32, #tpu.memory_space<vmem>>) offsets(%dma_start3A_56 : memref<128xi32, #tpu.memory_space<vmem>>) semaphore(%arg14 : memref<!tpu.dma_semaphore, #tpu.memory_space<semaphore_mem>>)
        %add3A_60 = arith.addi %mul3A_29, %scan3A_54 : i32
        "tpu.region"() ({
          %run_scoped3A = tpu.sem_alloc : memref<!tpu.dma_semaphore, #tpu.memory_space<semaphore_mem>>
          %dma_start3A_72 = arith.constant 0 : i32
          %dma_start3A_73 = arith.constant 0 : i32
          %dma_start3A_74 = tpu.memref_slice %arg6[%add3A_60, %dma_start3A_72, %dma_start3A_73] : memref<768x128x16xf32, #tpu.memory_space<hbm>> -> memref<1x128x16xf32, #tpu.memory_space<hbm>>
          %dma_start3A_75 = tpu.memref_squeeze %dma_start3A_74 : memref<1x128x16xf32, #tpu.memory_space<hbm>> -> memref<128x16xf32, #tpu.memory_space<hbm>>
          %dma_start3A_76 = arith.constant 0 : i32
          %dma_start3A_77 = arith.constant 0 : i32
          %dma_start3A_78 = tpu.memref_slice %arg6[%add3A_60, %dma_start3A_76, %dma_start3A_77] : memref<768x128x16xf32, #tpu.memory_space<hbm>> -> memref<1x128x16xf32, #tpu.memory_space<hbm>>
          %dma_start3A_79 = tpu.memref_squeeze %dma_start3A_78 : memref<1x128x16xf32, #tpu.memory_space<hbm>> -> memref<128x16xf32, #tpu.memory_space<hbm>>
          tpu.enqueue_dma source(%dma_start3A_79 : memref<128x16xf32, #tpu.memory_space<hbm>>) target(%arg11 : memref<128x16xf32, #tpu.memory_space<vmem>>) target_semaphore(%run_scoped3A : memref<!tpu.dma_semaphore, #tpu.memory_space<semaphore_mem>>)
          %dma_wait3A_80 = arith.constant 0 : i32
          %dma_wait3A_81 = arith.constant 0 : i32
          %dma_wait3A_82 = tpu.memref_slice %arg6[%add3A_60, %dma_wait3A_80, %dma_wait3A_81] : memref<768x128x16xf32, #tpu.memory_space<hbm>> -> memref<1x128x16xf32, #tpu.memory_space<hbm>>
          %dma_wait3A_83 = tpu.memref_squeeze %dma_wait3A_82 : memref<1x128x16xf32, #tpu.memory_space<hbm>> -> memref<128x16xf32, #tpu.memory_space<hbm>>
          %dma_wait3A_84 = arith.constant 0 : i32
          %dma_wait3A_85 = arith.constant 0 : i32
          %dma_wait3A_86 = tpu.memref_slice %arg6[%add3A_60, %dma_wait3A_84, %dma_wait3A_85] : memref<768x128x16xf32, #tpu.memory_space<hbm>> -> memref<1x128x16xf32, #tpu.memory_space<hbm>>
          %dma_wait3A_87 = tpu.memref_squeeze %dma_wait3A_86 : memref<1x128x16xf32, #tpu.memory_space<hbm>> -> memref<128x16xf32, #tpu.memory_space<hbm>>
          tpu.wait_dma2 semaphore(%run_scoped3A : memref<!tpu.dma_semaphore, #tpu.memory_space<semaphore_mem>>) src(%dma_wait3A_87 : memref<128x16xf32, #tpu.memory_space<hbm>>) dst(%arg11 : memref<128x16xf32, #tpu.memory_space<vmem>>)
          tpu.yield
        }) : () -> ()
        %dma_wait3A = arith.constant 0 : i32
        %dma_wait3A_61 = tpu.memref_slice %arg9[%scan3A_54, %dma_wait3A] : memref<48x128xi32, #tpu.memory_space<vmem>> -> memref<1x128xi32, #tpu.memory_space<vmem>>
        %dma_wait3A_62 = tpu.memref_squeeze %dma_wait3A_61 : memref<1x128xi32, #tpu.memory_space<vmem>> -> memref<128xi32, #tpu.memory_space<vmem>>
        %dma_wait3A_63 = arith.constant 0 : i32
        %dma_wait3A_64 = arith.constant 0 : i32
        %dma_wait3A_65 = tpu.memref_slice %arg2[%dma_wait3A_63, %dma_wait3A_64] : memref<12288x32xf32, #tpu.memory_space<hbm>> -> memref<12288x32xf32, #tpu.memory_space<hbm>>
        tpu.wait_indirect_dma semaphore(%arg14 : memref<!tpu.dma_semaphore, #tpu.memory_space<semaphore_mem>>) src(%dma_wait3A_65 : memref<12288x32xf32, #tpu.memory_space<hbm>>) dst(%arg12 : memref<128x32xf32, #tpu.memory_space<vmem>>)
        %scan3A_66 = arith.constant 0 : i32
        %scan3A_67 = arith.constant 0 : i32
        %scan3A_68 = arith.constant 128 : i32
        %scan3A_69 = arith.addi %scan3A_67, %scan3A_68 : i32
        %scan3A_70 = arith.constant 1 : i32
        scf.for %scan3A_72 = %scan3A_67 to %scan3A_69 step %scan3A_70  : i32 {
          %get3A = arith.index_cast %scan3A_72 : i32 to index
          %get3A_73 = arith.constant 0 : index
          %get3A_74 = tpu.vector_load %arg11[%get3A, %get3A_73] {strides = array<i32>} : memref<128x16xf32, #tpu.memory_space<vmem>>, vector<1x16xf32>,
          %get3A_75 = vector.shape_cast %get3A_74 : vector<1x16xf32> to vector<16xf32>
          %get3A_76 = arith.index_cast %scan3A_72 : i32 to index
          %get3A_77 = arith.constant 0 : index
          %get3A_78 = tpu.vector_load %arg12[%get3A_76, %get3A_77] {strides = array<i32>} : memref<128x32xf32, #tpu.memory_space<vmem>>, vector<1x16xf32>,
          %get3A_79 = vector.shape_cast %get3A_78 : vector<1x16xf32> to vector<16xf32>
          %mul3A_80 = arith.mulf %get3A_79, %get3A_75 : vector<16xf32>
          %swap3A = arith.index_cast %scan3A_72 : i32 to index
          %swap3A_81 = arith.constant 0 : index
          %swap3A_82 = tpu.vector_load %arg12[%swap3A, %swap3A_81] {strides = array<i32>} : memref<128x32xf32, #tpu.memory_space<vmem>>, vector<1x16xf32>,
          %swap3A_83 = vector.shape_cast %swap3A_82 : vector<1x16xf32> to vector<16xf32>
          %swap3A_84 = vector.shape_cast %mul3A_80 : vector<16xf32> to vector<1x16xf32>
          tpu.vector_store %arg12[%swap3A, %swap3A_81], %swap3A_84 {strides = array<i32>} : memref<128x32xf32, #tpu.memory_space<vmem>>, vector<1x16xf32>,
          %get3A_85 = arith.index_cast %scan3A_72 : i32 to index
          %get3A_86 = arith.constant 16 : index
          %get3A_87 = tpu.vector_load %arg12[%get3A_85, %get3A_86] {strides = array<i32>} : memref<128x32xf32, #tpu.memory_space<vmem>>, vector<1x16xf32>,
          %get3A_88 = vector.shape_cast %get3A_87 : vector<1x16xf32> to vector<16xf32>
          %mul3A_89 = arith.mulf %get3A_88, %get3A_75 : vector<16xf32>
          %swap3A_90 = arith.index_cast %scan3A_72 : i32 to index
          %swap3A_91 = arith.constant 16 : index
          %swap3A_92 = tpu.vector_load %arg12[%swap3A_90, %swap3A_91] {strides = array<i32>} : memref<128x32xf32, #tpu.memory_space<vmem>>, vector<1x16xf32>,
          %swap3A_93 = vector.shape_cast %swap3A_92 : vector<1x16xf32> to vector<16xf32>
          %swap3A_94 = vector.shape_cast %mul3A_89 : vector<16xf32> to vector<1x16xf32>
          tpu.vector_store %arg12[%swap3A_90, %swap3A_91], %swap3A_94 {strides = array<i32>} : memref<128x32xf32, #tpu.memory_space<vmem>>, vector<1x16xf32>,
        }
        %scan3A_71 = arith.constant 128 : i32
        "tpu.region"() ({
          %run_scoped3A = tpu.sem_alloc : memref<!tpu.dma_semaphore, #tpu.memory_space<semaphore_mem>>
          %dma_start3A_72 = arith.constant 0 : i32
          %dma_start3A_73 = tpu.memref_slice %arg10[%scan3A_54, %dma_start3A_72] : memref<48x128xi32, #tpu.memory_space<vmem>> -> memref<1x128xi32, #tpu.memory_space<vmem>>
          %dma_start3A_74 = tpu.memref_squeeze %dma_start3A_73 : memref<1x128xi32, #tpu.memory_space<vmem>> -> memref<128xi32, #tpu.memory_space<vmem>>
          %dma_start3A_75 = arith.constant 0 : i32
          %dma_start3A_76 = arith.constant 0 : i32
          %dma_start3A_77 = tpu.memref_slice %arg13[%dma_start3A_75, %dma_start3A_76] : memref<12288x32xf32, #tpu.memory_space<vmem_shared>> -> memref<12288x32xf32, #tpu.memory_space<vmem_shared>>
          tpu.enqueue_indirect_dma source(%arg12 : memref<128x32xf32, #tpu.memory_space<vmem>>) target(%dma_start3A_77 : memref<12288x32xf32, #tpu.memory_space<vmem_shared>>) offsets(%dma_start3A_74 : memref<128xi32, #tpu.memory_space<vmem>>) semaphore(%run_scoped3A : memref<!tpu.dma_semaphore, #tpu.memory_space<semaphore_mem>>) {add = true}
          %dma_wait3A_78 = arith.constant 0 : i32
          %dma_wait3A_79 = tpu.memref_slice %arg10[%scan3A_54, %dma_wait3A_78] : memref<48x128xi32, #tpu.memory_space<vmem>> -> memref<1x128xi32, #tpu.memory_space<vmem>>
          %dma_wait3A_80 = tpu.memref_squeeze %dma_wait3A_79 : memref<1x128xi32, #tpu.memory_space<vmem>> -> memref<128xi32, #tpu.memory_space<vmem>>
          %dma_wait3A_81 = arith.constant 0 : i32
          %dma_wait3A_82 = arith.constant 0 : i32
          %dma_wait3A_83 = tpu.memref_slice %arg13[%dma_wait3A_81, %dma_wait3A_82] : memref<12288x32xf32, #tpu.memory_space<vmem_shared>> -> memref<12288x32xf32, #tpu.memory_space<vmem_shared>>
          tpu.wait_indirect_dma semaphore(%run_scoped3A : memref<!tpu.dma_semaphore, #tpu.memory_space<semaphore_mem>>) src(%arg12 : memref<128x32xf32, #tpu.memory_space<vmem>>) dst(%dma_wait3A_83 : memref<12288x32xf32, #tpu.memory_space<vmem_shared>>)
          tpu.yield
        }) : () -> ()
      }
      %scan3A_53 = arith.constant 48 : i32
    } else {
    }
    %eq3A_32 = arith.constant 1 : i32
    %eq3A_33 = arith.cmpi eq, %arg0, %eq3A_32 : i32
    %convert_element_type3A_34 = arith.extui %eq3A_33 : i1 to i32
    %cond3A_35 = arith.constant 0 : i32
    %cond3A_36 = arith.cmpi ne, %convert_element_type3A_34, %cond3A_35 : i32
    scf.if %cond3A_36 {
      %scan3A_48 = arith.constant 0 : i32
      %scan3A_49 = arith.constant 0 : i32
      %scan3A_50 = arith.constant 48 : i32
      %scan3A_51 = arith.addi %scan3A_49, %scan3A_50 : i32
      %scan3A_52 = arith.constant 1 : i32
      scf.for %scan3A_54 = %scan3A_49 to %scan3A_51 step %scan3A_52  : i32 {
        %dma_start3A = arith.constant 0 : i32
        %dma_start3A_55 = tpu.memref_slice %arg9[%scan3A_54, %dma_start3A] : memref<48x128xi32, #tpu.memory_space<vmem>> -> memref<1x128xi32, #tpu.memory_space<vmem>>
        %dma_start3A_56 = tpu.memref_squeeze %dma_start3A_55 : memref<1x128xi32, #tpu.memory_space<vmem>> -> memref<128xi32, #tpu.memory_space<vmem>>
        %dma_start3A_57 = arith.constant 0 : i32
        %dma_start3A_58 = arith.constant 0 : i32
        %dma_start3A_59 = tpu.memref_slice %arg3[%dma_start3A_57, %dma_start3A_58] : memref<12288x32xf32, #tpu.memory_space<hbm>> -> memref<12288x32xf32, #tpu.memory_space<hbm>>
        tpu.enqueue_indirect_dma source(%dma_start3A_59 : memref<12288x32xf32, #tpu.memory_space<hbm>>) target(%arg12 : memref<128x32xf32, #tpu.memory_space<vmem>>) offsets(%dma_start3A_56 : memref<128xi32, #tpu.memory_space<vmem>>) semaphore(%arg14 : memref<!tpu.dma_semaphore, #tpu.memory_space<semaphore_mem>>)
        %add3A_60 = arith.addi %mul3A_29, %scan3A_54 : i32
        "tpu.region"() ({
          %run_scoped3A = tpu.sem_alloc : memref<!tpu.dma_semaphore, #tpu.memory_space<semaphore_mem>>
          %dma_start3A_72 = arith.constant 0 : i32
          %dma_start3A_73 = arith.constant 0 : i32
          %dma_start3A_74 = tpu.memref_slice %arg6[%add3A_60, %dma_start3A_72, %dma_start3A_73] : memref<768x128x16xf32, #tpu.memory_space<hbm>> -> memref<1x128x16xf32, #tpu.memory_space<hbm>>
          %dma_start3A_75 = tpu.memref_squeeze %dma_start3A_74 : memref<1x128x16xf32, #tpu.memory_space<hbm>> -> memref<128x16xf32, #tpu.memory_space<hbm>>
          %dma_start3A_76 = arith.constant 0 : i32
          %dma_start3A_77 = arith.constant 0 : i32
          %dma_start3A_78 = tpu.memref_slice %arg6[%add3A_60, %dma_start3A_76, %dma_start3A_77] : memref<768x128x16xf32, #tpu.memory_space<hbm>> -> memref<1x128x16xf32, #tpu.memory_space<hbm>>
          %dma_start3A_79 = tpu.memref_squeeze %dma_start3A_78 : memref<1x128x16xf32, #tpu.memory_space<hbm>> -> memref<128x16xf32, #tpu.memory_space<hbm>>
          tpu.enqueue_dma source(%dma_start3A_79 : memref<128x16xf32, #tpu.memory_space<hbm>>) target(%arg11 : memref<128x16xf32, #tpu.memory_space<vmem>>) target_semaphore(%run_scoped3A : memref<!tpu.dma_semaphore, #tpu.memory_space<semaphore_mem>>)
          %dma_wait3A_80 = arith.constant 0 : i32
          %dma_wait3A_81 = arith.constant 0 : i32
          %dma_wait3A_82 = tpu.memref_slice %arg6[%add3A_60, %dma_wait3A_80, %dma_wait3A_81] : memref<768x128x16xf32, #tpu.memory_space<hbm>> -> memref<1x128x16xf32, #tpu.memory_space<hbm>>
          %dma_wait3A_83 = tpu.memref_squeeze %dma_wait3A_82 : memref<1x128x16xf32, #tpu.memory_space<hbm>> -> memref<128x16xf32, #tpu.memory_space<hbm>>
          %dma_wait3A_84 = arith.constant 0 : i32
          %dma_wait3A_85 = arith.constant 0 : i32
          %dma_wait3A_86 = tpu.memref_slice %arg6[%add3A_60, %dma_wait3A_84, %dma_wait3A_85] : memref<768x128x16xf32, #tpu.memory_space<hbm>> -> memref<1x128x16xf32, #tpu.memory_space<hbm>>
          %dma_wait3A_87 = tpu.memref_squeeze %dma_wait3A_86 : memref<1x128x16xf32, #tpu.memory_space<hbm>> -> memref<128x16xf32, #tpu.memory_space<hbm>>
          tpu.wait_dma2 semaphore(%run_scoped3A : memref<!tpu.dma_semaphore, #tpu.memory_space<semaphore_mem>>) src(%dma_wait3A_87 : memref<128x16xf32, #tpu.memory_space<hbm>>) dst(%arg11 : memref<128x16xf32, #tpu.memory_space<vmem>>)
          tpu.yield
        }) : () -> ()
        %dma_wait3A = arith.constant 0 : i32
        %dma_wait3A_61 = tpu.memref_slice %arg9[%scan3A_54, %dma_wait3A] : memref<48x128xi32, #tpu.memory_space<vmem>> -> memref<1x128xi32, #tpu.memory_space<vmem>>
        %dma_wait3A_62 = tpu.memref_squeeze %dma_wait3A_61 : memref<1x128xi32, #tpu.memory_space<vmem>> -> memref<128xi32, #tpu.memory_space<vmem>>
        %dma_wait3A_63 = arith.constant 0 : i32
        %dma_wait3A_64 = arith.constant 0 : i32
        %dma_wait3A_65 = tpu.memref_slice %arg3[%dma_wait3A_63, %dma_wait3A_64] : memref<12288x32xf32, #tpu.memory_space<hbm>> -> memref<12288x32xf32, #tpu.memory_space<hbm>>
        tpu.wait_indirect_dma semaphore(%arg14 : memref<!tpu.dma_semaphore, #tpu.memory_space<semaphore_mem>>) src(%dma_wait3A_65 : memref<12288x32xf32, #tpu.memory_space<hbm>>) dst(%arg12 : memref<128x32xf32, #tpu.memory_space<vmem>>)
        %scan3A_66 = arith.constant 0 : i32
        %scan3A_67 = arith.constant 0 : i32
        %scan3A_68 = arith.constant 128 : i32
        %scan3A_69 = arith.addi %scan3A_67, %scan3A_68 : i32
        %scan3A_70 = arith.constant 1 : i32
        scf.for %scan3A_72 = %scan3A_67 to %scan3A_69 step %scan3A_70  : i32 {
          %get3A = arith.index_cast %scan3A_72 : i32 to index
          %get3A_73 = arith.constant 0 : index
          %get3A_74 = tpu.vector_load %arg11[%get3A, %get3A_73] {strides = array<i32>} : memref<128x16xf32, #tpu.memory_space<vmem>>, vector<1x16xf32>,
          %get3A_75 = vector.shape_cast %get3A_74 : vector<1x16xf32> to vector<16xf32>
          %get3A_76 = arith.index_cast %scan3A_72 : i32 to index
          %get3A_77 = arith.constant 0 : index
          %get3A_78 = tpu.vector_load %arg12[%get3A_76, %get3A_77] {strides = array<i32>} : memref<128x32xf32, #tpu.memory_space<vmem>>, vector<1x16xf32>,
          %get3A_79 = vector.shape_cast %get3A_78 : vector<1x16xf32> to vector<16xf32>
          %mul3A_80 = arith.mulf %get3A_79, %get3A_75 : vector<16xf32>
          %swap3A = arith.index_cast %scan3A_72 : i32 to index
          %swap3A_81 = arith.constant 0 : index
          %swap3A_82 = tpu.vector_load %arg12[%swap3A, %swap3A_81] {strides = array<i32>} : memref<128x32xf32, #tpu.memory_space<vmem>>, vector<1x16xf32>,
          %swap3A_83 = vector.shape_cast %swap3A_82 : vector<1x16xf32> to vector<16xf32>
          %swap3A_84 = vector.shape_cast %mul3A_80 : vector<16xf32> to vector<1x16xf32>
          tpu.vector_store %arg12[%swap3A, %swap3A_81], %swap3A_84 {strides = array<i32>} : memref<128x32xf32, #tpu.memory_space<vmem>>, vector<1x16xf32>,
          %get3A_85 = arith.index_cast %scan3A_72 : i32 to index
          %get3A_86 = arith.constant 16 : index
          %get3A_87 = tpu.vector_load %arg12[%get3A_85, %get3A_86] {strides = array<i32>} : memref<128x32xf32, #tpu.memory_space<vmem>>, vector<1x16xf32>,
          %get3A_88 = vector.shape_cast %get3A_87 : vector<1x16xf32> to vector<16xf32>
          %mul3A_89 = arith.mulf %get3A_88, %get3A_75 : vector<16xf32>
          %swap3A_90 = arith.index_cast %scan3A_72 : i32 to index
          %swap3A_91 = arith.constant 16 : index
          %swap3A_92 = tpu.vector_load %arg12[%swap3A_90, %swap3A_91] {strides = array<i32>} : memref<128x32xf32, #tpu.memory_space<vmem>>, vector<1x16xf32>,
          %swap3A_93 = vector.shape_cast %swap3A_92 : vector<1x16xf32> to vector<16xf32>
          %swap3A_94 = vector.shape_cast %mul3A_89 : vector<16xf32> to vector<1x16xf32>
          tpu.vector_store %arg12[%swap3A_90, %swap3A_91], %swap3A_94 {strides = array<i32>} : memref<128x32xf32, #tpu.memory_space<vmem>>, vector<1x16xf32>,
        }
        %scan3A_71 = arith.constant 128 : i32
        "tpu.region"() ({
          %run_scoped3A = tpu.sem_alloc : memref<!tpu.dma_semaphore, #tpu.memory_space<semaphore_mem>>
          %dma_start3A_72 = arith.constant 0 : i32
          %dma_start3A_73 = tpu.memref_slice %arg10[%scan3A_54, %dma_start3A_72] : memref<48x128xi32, #tpu.memory_space<vmem>> -> memref<1x128xi32, #tpu.memory_space<vmem>>
          %dma_start3A_74 = tpu.memref_squeeze %dma_start3A_73 : memref<1x128xi32, #tpu.memory_space<vmem>> -> memref<128xi32, #tpu.memory_space<vmem>>
          %dma_start3A_75 = arith.constant 0 : i32
          %dma_start3A_76 = arith.constant 0 : i32
          %dma_start3A_77 = tpu.memref_slice %arg13[%dma_start3A_75, %dma_start3A_76] : memref<12288x32xf32, #tpu.memory_space<vmem_shared>> -> memref<12288x32xf32, #tpu.memory_space<vmem_shared>>
          tpu.enqueue_indirect_dma source(%arg12 : memref<128x32xf32, #tpu.memory_space<vmem>>) target(%dma_start3A_77 : memref<12288x32xf32, #tpu.memory_space<vmem_shared>>) offsets(%dma_start3A_74 : memref<128xi32, #tpu.memory_space<vmem>>) semaphore(%run_scoped3A : memref<!tpu.dma_semaphore, #tpu.memory_space<semaphore_mem>>) {add = true}
          %dma_wait3A_78 = arith.constant 0 : i32
          %dma_wait3A_79 = tpu.memref_slice %arg10[%scan3A_54, %dma_wait3A_78] : memref<48x128xi32, #tpu.memory_space<vmem>> -> memref<1x128xi32, #tpu.memory_space<vmem>>
          %dma_wait3A_80 = tpu.memref_squeeze %dma_wait3A_79 : memref<1x128xi32, #tpu.memory_space<vmem>> -> memref<128xi32, #tpu.memory_space<vmem>>
          %dma_wait3A_81 = arith.constant 0 : i32
          %dma_wait3A_82 = arith.constant 0 : i32
          %dma_wait3A_83 = tpu.memref_slice %arg13[%dma_wait3A_81, %dma_wait3A_82] : memref<12288x32xf32, #tpu.memory_space<vmem_shared>> -> memref<12288x32xf32, #tpu.memory_space<vmem_shared>>
          tpu.wait_indirect_dma semaphore(%run_scoped3A : memref<!tpu.dma_semaphore, #tpu.memory_space<semaphore_mem>>) src(%arg12 : memref<128x32xf32, #tpu.memory_space<vmem>>) dst(%dma_wait3A_83 : memref<12288x32xf32, #tpu.memory_space<vmem_shared>>)
          tpu.yield
        }) : () -> ()
      }
      %scan3A_53 = arith.constant 48 : i32
    } else {
    }
    %barrier3A_37 = arith.constant 0 : index
    tpu.barrier barrier_id(%barrier3A_37)
    %eq3A_38 = arith.constant 0 : i32
    %eq3A_39 = arith.cmpi eq, %arg0, %eq3A_38 : i32
    %convert_element_type3A_40 = arith.extui %eq3A_39 : i1 to i32
    %cond3A_41 = arith.constant 0 : i32
    %cond3A_42 = arith.cmpi ne, %convert_element_type3A_40, %cond3A_41 : i32
    scf.if %cond3A_42 {
      %mul3A_48 = arith.constant 768 : i32
      %mul3A_49 = arith.muli %arg1, %mul3A_48 : i32
      %add3A_50 = arith.constant 0 : i32
      %add3A_51 = arith.addi %mul3A_49, %add3A_50 : i32
      "tpu.region"() ({
        %run_scoped3A = tpu.sem_alloc : memref<!tpu.dma_semaphore, #tpu.memory_space<semaphore_mem>>
        %dma_start3A = arith.constant 0 : i32
        %dma_start3A_72 = tpu.memref_slice %arg7[%add3A_51, %dma_start3A] : memref<12288x32xf32, #tpu.memory_space<hbm>> -> memref<128x32xf32, #tpu.memory_space<hbm>>
        %dma_start3A_73 = arith.constant 0 : i32
        %dma_start3A_74 = tpu.memref_slice %arg13[%add3A_51, %dma_start3A_73] : memref<12288x32xf32, #tpu.memory_space<vmem_shared>> -> memref<128x32xf32, #tpu.memory_space<vmem_shared>>
        tpu.enqueue_dma source(%dma_start3A_74 : memref<128x32xf32, #tpu.memory_space<vmem_shared>>) target(%dma_start3A_72 : memref<128x32xf32, #tpu.memory_space<hbm>>) target_semaphore(%run_scoped3A : memref<!tpu.dma_semaphore, #tpu.memory_space<semaphore_mem>>)
        %dma_wait3A = arith.constant 0 : i32
        %dma_wait3A_75 = tpu.memref_slice %arg7[%add3A_51, %dma_wait3A] : memref<12288x32xf32, #tpu.memory_space<hbm>> -> memref<128x32xf32, #tpu.memory_space<hbm>>
        %dma_wait3A_76 = arith.constant 0 : i32
        %dma_wait3A_77 = tpu.memref_slice %arg13[%add3A_51, %dma_wait3A_76] : memref<12288x32xf32, #tpu.memory_space<vmem_shared>> -> memref<128x32xf32, #tpu.memory_space<vmem_shared>>
        tpu.wait_dma2 semaphore(%run_scoped3A : memref<!tpu.dma_semaphore, #tpu.memory_space<semaphore_mem>>) src(%dma_wait3A_77 : memref<128x32xf32, #tpu.memory_space<vmem_shared>>) dst(%dma_wait3A_75 : memref<128x32xf32, #tpu.memory_space<hbm>>)
        tpu.yield
      }) : () -> ()
      %mul3A_52 = arith.constant 768 : i32
      %mul3A_53 = arith.muli %arg1, %mul3A_52 : i32
      %add3A_54 = arith.constant 128 : i32
      %add3A_55 = arith.addi %mul3A_53, %add3A_54 : i32
      "tpu.region"() ({
        %run_scoped3A = tpu.sem_alloc : memref<!tpu.dma_semaphore, #tpu.memory_space<semaphore_mem>>
        %dma_start3A = arith.constant 0 : i32
        %dma_start3A_72 = tpu.memref_slice %arg7[%add3A_55, %dma_start3A] : memref<12288x32xf32, #tpu.memory_space<hbm>> -> memref<128x32xf32, #tpu.memory_space<hbm>>
        %dma_start3A_73 = arith.constant 0 : i32
        %dma_start3A_74 = tpu.memref_slice %arg13[%add3A_55, %dma_start3A_73] : memref<12288x32xf32, #tpu.memory_space<vmem_shared>> -> memref<128x32xf32, #tpu.memory_space<vmem_shared>>
        tpu.enqueue_dma source(%dma_start3A_74 : memref<128x32xf32, #tpu.memory_space<vmem_shared>>) target(%dma_start3A_72 : memref<128x32xf32, #tpu.memory_space<hbm>>) target_semaphore(%run_scoped3A : memref<!tpu.dma_semaphore, #tpu.memory_space<semaphore_mem>>)
        %dma_wait3A = arith.constant 0 : i32
        %dma_wait3A_75 = tpu.memref_slice %arg7[%add3A_55, %dma_wait3A] : memref<12288x32xf32, #tpu.memory_space<hbm>> -> memref<128x32xf32, #tpu.memory_space<hbm>>
        %dma_wait3A_76 = arith.constant 0 : i32
        %dma_wait3A_77 = tpu.memref_slice %arg13[%add3A_55, %dma_wait3A_76] : memref<12288x32xf32, #tpu.memory_space<vmem_shared>> -> memref<128x32xf32, #tpu.memory_space<vmem_shared>>
        tpu.wait_dma2 semaphore(%run_scoped3A : memref<!tpu.dma_semaphore, #tpu.memory_space<semaphore_mem>>) src(%dma_wait3A_77 : memref<128x32xf32, #tpu.memory_space<vmem_shared>>) dst(%dma_wait3A_75 : memref<128x32xf32, #tpu.memory_space<hbm>>)
        tpu.yield
      }) : () -> ()
      %mul3A_56 = arith.constant 768 : i32
      %mul3A_57 = arith.muli %arg1, %mul3A_56 : i32
      %add3A_58 = arith.constant 256 : i32
      %add3A_59 = arith.addi %mul3A_57, %add3A_58 : i32
      "tpu.region"() ({
        %run_scoped3A = tpu.sem_alloc : memref<!tpu.dma_semaphore, #tpu.memory_space<semaphore_mem>>
        %dma_start3A = arith.constant 0 : i32
        %dma_start3A_72 = tpu.memref_slice %arg7[%add3A_59, %dma_start3A] : memref<12288x32xf32, #tpu.memory_space<hbm>> -> memref<128x32xf32, #tpu.memory_space<hbm>>
        %dma_start3A_73 = arith.constant 0 : i32
        %dma_start3A_74 = tpu.memref_slice %arg13[%add3A_59, %dma_start3A_73] : memref<12288x32xf32, #tpu.memory_space<vmem_shared>> -> memref<128x32xf32, #tpu.memory_space<vmem_shared>>
        tpu.enqueue_dma source(%dma_start3A_74 : memref<128x32xf32, #tpu.memory_space<vmem_shared>>) target(%dma_start3A_72 : memref<128x32xf32, #tpu.memory_space<hbm>>) target_semaphore(%run_scoped3A : memref<!tpu.dma_semaphore, #tpu.memory_space<semaphore_mem>>)
        %dma_wait3A = arith.constant 0 : i32
        %dma_wait3A_75 = tpu.memref_slice %arg7[%add3A_59, %dma_wait3A] : memref<12288x32xf32, #tpu.memory_space<hbm>> -> memref<128x32xf32, #tpu.memory_space<hbm>>
        %dma_wait3A_76 = arith.constant 0 : i32
        %dma_wait3A_77 = tpu.memref_slice %arg13[%add3A_59, %dma_wait3A_76] : memref<12288x32xf32, #tpu.memory_space<vmem_shared>> -> memref<128x32xf32, #tpu.memory_space<vmem_shared>>
        tpu.wait_dma2 semaphore(%run_scoped3A : memref<!tpu.dma_semaphore, #tpu.memory_space<semaphore_mem>>) src(%dma_wait3A_77 : memref<128x32xf32, #tpu.memory_space<vmem_shared>>) dst(%dma_wait3A_75 : memref<128x32xf32, #tpu.memory_space<hbm>>)
        tpu.yield
      }) : () -> ()
      %mul3A_60 = arith.constant 768 : i32
      %mul3A_61 = arith.muli %arg1, %mul3A_60 : i32
      %add3A_62 = arith.constant 384 : i32
      %add3A_63 = arith.addi %mul3A_61, %add3A_62 : i32
      "tpu.region"() ({
        %run_scoped3A = tpu.sem_alloc : memref<!tpu.dma_semaphore, #tpu.memory_space<semaphore_mem>>
        %dma_start3A = arith.constant 0 : i32
        %dma_start3A_72 = tpu.memref_slice %arg7[%add3A_63, %dma_start3A] : memref<12288x32xf32, #tpu.memory_space<hbm>> -> memref<128x32xf32, #tpu.memory_space<hbm>>
        %dma_start3A_73 = arith.constant 0 : i32
        %dma_start3A_74 = tpu.memref_slice %arg13[%add3A_63, %dma_start3A_73] : memref<12288x32xf32, #tpu.memory_space<vmem_shared>> -> memref<128x32xf32, #tpu.memory_space<vmem_shared>>
        tpu.enqueue_dma source(%dma_start3A_74 : memref<128x32xf32, #tpu.memory_space<vmem_shared>>) target(%dma_start3A_72 : memref<128x32xf32, #tpu.memory_space<hbm>>) target_semaphore(%run_scoped3A : memref<!tpu.dma_semaphore, #tpu.memory_space<semaphore_mem>>)
        %dma_wait3A = arith.constant 0 : i32
        %dma_wait3A_75 = tpu.memref_slice %arg7[%add3A_63, %dma_wait3A] : memref<12288x32xf32, #tpu.memory_space<hbm>> -> memref<128x32xf32, #tpu.memory_space<hbm>>
        %dma_wait3A_76 = arith.constant 0 : i32
        %dma_wait3A_77 = tpu.memref_slice %arg13[%add3A_63, %dma_wait3A_76] : memref<12288x32xf32, #tpu.memory_space<vmem_shared>> -> memref<128x32xf32, #tpu.memory_space<vmem_shared>>
        tpu.wait_dma2 semaphore(%run_scoped3A : memref<!tpu.dma_semaphore, #tpu.memory_space<semaphore_mem>>) src(%dma_wait3A_77 : memref<128x32xf32, #tpu.memory_space<vmem_shared>>) dst(%dma_wait3A_75 : memref<128x32xf32, #tpu.memory_space<hbm>>)
        tpu.yield
      }) : () -> ()
      %mul3A_64 = arith.constant 768 : i32
      %mul3A_65 = arith.muli %arg1, %mul3A_64 : i32
      %add3A_66 = arith.constant 512 : i32
      %add3A_67 = arith.addi %mul3A_65, %add3A_66 : i32
      "tpu.region"() ({
        %run_scoped3A = tpu.sem_alloc : memref<!tpu.dma_semaphore, #tpu.memory_space<semaphore_mem>>
        %dma_start3A = arith.constant 0 : i32
        %dma_start3A_72 = tpu.memref_slice %arg7[%add3A_67, %dma_start3A] : memref<12288x32xf32, #tpu.memory_space<hbm>> -> memref<128x32xf32, #tpu.memory_space<hbm>>
        %dma_start3A_73 = arith.constant 0 : i32
        %dma_start3A_74 = tpu.memref_slice %arg13[%add3A_67, %dma_start3A_73] : memref<12288x32xf32, #tpu.memory_space<vmem_shared>> -> memref<128x32xf32, #tpu.memory_space<vmem_shared>>
        tpu.enqueue_dma source(%dma_start3A_74 : memref<128x32xf32, #tpu.memory_space<vmem_shared>>) target(%dma_start3A_72 : memref<128x32xf32, #tpu.memory_space<hbm>>) target_semaphore(%run_scoped3A : memref<!tpu.dma_semaphore, #tpu.memory_space<semaphore_mem>>)
        %dma_wait3A = arith.constant 0 : i32
        %dma_wait3A_75 = tpu.memref_slice %arg7[%add3A_67, %dma_wait3A] : memref<12288x32xf32, #tpu.memory_space<hbm>> -> memref<128x32xf32, #tpu.memory_space<hbm>>
        %dma_wait3A_76 = arith.constant 0 : i32
        %dma_wait3A_77 = tpu.memref_slice %arg13[%add3A_67, %dma_wait3A_76] : memref<12288x32xf32, #tpu.memory_space<vmem_shared>> -> memref<128x32xf32, #tpu.memory_space<vmem_shared>>
        tpu.wait_dma2 semaphore(%run_scoped3A : memref<!tpu.dma_semaphore, #tpu.memory_space<semaphore_mem>>) src(%dma_wait3A_77 : memref<128x32xf32, #tpu.memory_space<vmem_shared>>) dst(%dma_wait3A_75 : memref<128x32xf32, #tpu.memory_space<hbm>>)
        tpu.yield
      }) : () -> ()
      %mul3A_68 = arith.constant 768 : i32
      %mul3A_69 = arith.muli %arg1, %mul3A_68 : i32
      %add3A_70 = arith.constant 640 : i32
      %add3A_71 = arith.addi %mul3A_69, %add3A_70 : i32
      "tpu.region"() ({
        %run_scoped3A = tpu.sem_alloc : memref<!tpu.dma_semaphore, #tpu.memory_space<semaphore_mem>>
        %dma_start3A = arith.constant 0 : i32
        %dma_start3A_72 = tpu.memref_slice %arg7[%add3A_71, %dma_start3A] : memref<12288x32xf32, #tpu.memory_space<hbm>> -> memref<128x32xf32, #tpu.memory_space<hbm>>
        %dma_start3A_73 = arith.constant 0 : i32
        %dma_start3A_74 = tpu.memref_slice %arg13[%add3A_71, %dma_start3A_73] : memref<12288x32xf32, #tpu.memory_space<vmem_shared>> -> memref<128x32xf32, #tpu.memory_space<vmem_shared>>
        tpu.enqueue_dma source(%dma_start3A_74 : memref<128x32xf32, #tpu.memory_space<vmem_shared>>) target(%dma_start3A_72 : memref<128x32xf32, #tpu.memory_space<hbm>>) target_semaphore(%run_scoped3A : memref<!tpu.dma_semaphore, #tpu.memory_space<semaphore_mem>>)
        %dma_wait3A = arith.constant 0 : i32
        %dma_wait3A_75 = tpu.memref_slice %arg7[%add3A_71, %dma_wait3A] : memref<12288x32xf32, #tpu.memory_space<hbm>> -> memref<128x32xf32, #tpu.memory_space<hbm>>
        %dma_wait3A_76 = arith.constant 0 : i32
        %dma_wait3A_77 = tpu.memref_slice %arg13[%add3A_71, %dma_wait3A_76] : memref<12288x32xf32, #tpu.memory_space<vmem_shared>> -> memref<128x32xf32, #tpu.memory_space<vmem_shared>>
        tpu.wait_dma2 semaphore(%run_scoped3A : memref<!tpu.dma_semaphore, #tpu.memory_space<semaphore_mem>>) src(%dma_wait3A_77 : memref<128x32xf32, #tpu.memory_space<vmem_shared>>) dst(%dma_wait3A_75 : memref<128x32xf32, #tpu.memory_space<hbm>>)
        tpu.yield
      }) : () -> ()
    } else {
    }
    %eq3A_43 = arith.constant 1 : i32
    %eq3A_44 = arith.cmpi eq, %arg0, %eq3A_43 : i32
    %convert_element_type3A_45 = arith.extui %eq3A_44 : i1 to i32
    %cond3A_46 = arith.constant 0 : i32
    %cond3A_47 = arith.cmpi ne, %convert_element_type3A_45, %cond3A_46 : i32
    scf.if %cond3A_47 {
      %mul3A_48 = arith.constant 768 : i32
      %mul3A_49 = arith.muli %arg1, %mul3A_48 : i32
      %add3A_50 = arith.constant 0 : i32
      %add3A_51 = arith.addi %mul3A_49, %add3A_50 : i32
      "tpu.region"() ({
        %run_scoped3A = tpu.sem_alloc : memref<!tpu.dma_semaphore, #tpu.memory_space<semaphore_mem>>
        %dma_start3A = arith.constant 0 : i32
        %dma_start3A_72 = tpu.memref_slice %arg8[%add3A_51, %dma_start3A] : memref<12288x32xf32, #tpu.memory_space<hbm>> -> memref<128x32xf32, #tpu.memory_space<hbm>>
        %dma_start3A_73 = arith.constant 0 : i32
        %dma_start3A_74 = tpu.memref_slice %arg13[%add3A_51, %dma_start3A_73] : memref<12288x32xf32, #tpu.memory_space<vmem_shared>> -> memref<128x32xf32, #tpu.memory_space<vmem_shared>>
        tpu.enqueue_dma source(%dma_start3A_74 : memref<128x32xf32, #tpu.memory_space<vmem_shared>>) target(%dma_start3A_72 : memref<128x32xf32, #tpu.memory_space<hbm>>) target_semaphore(%run_scoped3A : memref<!tpu.dma_semaphore, #tpu.memory_space<semaphore_mem>>)
        %dma_wait3A = arith.constant 0 : i32
        %dma_wait3A_75 = tpu.memref_slice %arg8[%add3A_51, %dma_wait3A] : memref<12288x32xf32, #tpu.memory_space<hbm>> -> memref<128x32xf32, #tpu.memory_space<hbm>>
        %dma_wait3A_76 = arith.constant 0 : i32
        %dma_wait3A_77 = tpu.memref_slice %arg13[%add3A_51, %dma_wait3A_76] : memref<12288x32xf32, #tpu.memory_space<vmem_shared>> -> memref<128x32xf32, #tpu.memory_space<vmem_shared>>
        tpu.wait_dma2 semaphore(%run_scoped3A : memref<!tpu.dma_semaphore, #tpu.memory_space<semaphore_mem>>) src(%dma_wait3A_77 : memref<128x32xf32, #tpu.memory_space<vmem_shared>>) dst(%dma_wait3A_75 : memref<128x32xf32, #tpu.memory_space<hbm>>)
        tpu.yield
      }) : () -> ()
      %mul3A_52 = arith.constant 768 : i32
      %mul3A_53 = arith.muli %arg1, %mul3A_52 : i32
      %add3A_54 = arith.constant 128 : i32
      %add3A_55 = arith.addi %mul3A_53, %add3A_54 : i32
      "tpu.region"() ({
        %run_scoped3A = tpu.sem_alloc : memref<!tpu.dma_semaphore, #tpu.memory_space<semaphore_mem>>
        %dma_start3A = arith.constant 0 : i32
        %dma_start3A_72 = tpu.memref_slice %arg8[%add3A_55, %dma_start3A] : memref<12288x32xf32, #tpu.memory_space<hbm>> -> memref<128x32xf32, #tpu.memory_space<hbm>>
        %dma_start3A_73 = arith.constant 0 : i32
        %dma_start3A_74 = tpu.memref_slice %arg13[%add3A_55, %dma_start3A_73] : memref<12288x32xf32, #tpu.memory_space<vmem_shared>> -> memref<128x32xf32, #tpu.memory_space<vmem_shared>>
        tpu.enqueue_dma source(%dma_start3A_74 : memref<128x32xf32, #tpu.memory_space<vmem_shared>>) target(%dma_start3A_72 : memref<128x32xf32, #tpu.memory_space<hbm>>) target_semaphore(%run_scoped3A : memref<!tpu.dma_semaphore, #tpu.memory_space<semaphore_mem>>)
        %dma_wait3A = arith.constant 0 : i32
        %dma_wait3A_75 = tpu.memref_slice %arg8[%add3A_55, %dma_wait3A] : memref<12288x32xf32, #tpu.memory_space<hbm>> -> memref<128x32xf32, #tpu.memory_space<hbm>>
        %dma_wait3A_76 = arith.constant 0 : i32
        %dma_wait3A_77 = tpu.memref_slice %arg13[%add3A_55, %dma_wait3A_76] : memref<12288x32xf32, #tpu.memory_space<vmem_shared>> -> memref<128x32xf32, #tpu.memory_space<vmem_shared>>
        tpu.wait_dma2 semaphore(%run_scoped3A : memref<!tpu.dma_semaphore, #tpu.memory_space<semaphore_mem>>) src(%dma_wait3A_77 : memref<128x32xf32, #tpu.memory_space<vmem_shared>>) dst(%dma_wait3A_75 : memref<128x32xf32, #tpu.memory_space<hbm>>)
        tpu.yield
      }) : () -> ()
      %mul3A_56 = arith.constant 768 : i32
      %mul3A_57 = arith.muli %arg1, %mul3A_56 : i32
      %add3A_58 = arith.constant 256 : i32
      %add3A_59 = arith.addi %mul3A_57, %add3A_58 : i32
      "tpu.region"() ({
        %run_scoped3A = tpu.sem_alloc : memref<!tpu.dma_semaphore, #tpu.memory_space<semaphore_mem>>
        %dma_start3A = arith.constant 0 : i32
        %dma_start3A_72 = tpu.memref_slice %arg8[%add3A_59, %dma_start3A] : memref<12288x32xf32, #tpu.memory_space<hbm>> -> memref<128x32xf32, #tpu.memory_space<hbm>>
        %dma_start3A_73 = arith.constant 0 : i32
        %dma_start3A_74 = tpu.memref_slice %arg13[%add3A_59, %dma_start3A_73] : memref<12288x32xf32, #tpu.memory_space<vmem_shared>> -> memref<128x32xf32, #tpu.memory_space<vmem_shared>>
        tpu.enqueue_dma source(%dma_start3A_74 : memref<128x32xf32, #tpu.memory_space<vmem_shared>>) target(%dma_start3A_72 : memref<128x32xf32, #tpu.memory_space<hbm>>) target_semaphore(%run_scoped3A : memref<!tpu.dma_semaphore, #tpu.memory_space<semaphore_mem>>)
        %dma_wait3A = arith.constant 0 : i32
        %dma_wait3A_75 = tpu.memref_slice %arg8[%add3A_59, %dma_wait3A] : memref<12288x32xf32, #tpu.memory_space<hbm>> -> memref<128x32xf32, #tpu.memory_space<hbm>>
        %dma_wait3A_76 = arith.constant 0 : i32
        %dma_wait3A_77 = tpu.memref_slice %arg13[%add3A_59, %dma_wait3A_76] : memref<12288x32xf32, #tpu.memory_space<vmem_shared>> -> memref<128x32xf32, #tpu.memory_space<vmem_shared>>
        tpu.wait_dma2 semaphore(%run_scoped3A : memref<!tpu.dma_semaphore, #tpu.memory_space<semaphore_mem>>) src(%dma_wait3A_77 : memref<128x32xf32, #tpu.memory_space<vmem_shared>>) dst(%dma_wait3A_75 : memref<128x32xf32, #tpu.memory_space<hbm>>)
        tpu.yield
      }) : () -> ()
      %mul3A_60 = arith.constant 768 : i32
      %mul3A_61 = arith.muli %arg1, %mul3A_60 : i32
      %add3A_62 = arith.constant 384 : i32
      %add3A_63 = arith.addi %mul3A_61, %add3A_62 : i32
      "tpu.region"() ({
        %run_scoped3A = tpu.sem_alloc : memref<!tpu.dma_semaphore, #tpu.memory_space<semaphore_mem>>
        %dma_start3A = arith.constant 0 : i32
        %dma_start3A_72 = tpu.memref_slice %arg8[%add3A_63, %dma_start3A] : memref<12288x32xf32, #tpu.memory_space<hbm>> -> memref<128x32xf32, #tpu.memory_space<hbm>>
        %dma_start3A_73 = arith.constant 0 : i32
        %dma_start3A_74 = tpu.memref_slice %arg13[%add3A_63, %dma_start3A_73] : memref<12288x32xf32, #tpu.memory_space<vmem_shared>> -> memref<128x32xf32, #tpu.memory_space<vmem_shared>>
        tpu.enqueue_dma source(%dma_start3A_74 : memref<128x32xf32, #tpu.memory_space<vmem_shared>>) target(%dma_start3A_72 : memref<128x32xf32, #tpu.memory_space<hbm>>) target_semaphore(%run_scoped3A : memref<!tpu.dma_semaphore, #tpu.memory_space<semaphore_mem>>)
        %dma_wait3A = arith.constant 0 : i32
        %dma_wait3A_75 = tpu.memref_slice %arg8[%add3A_63, %dma_wait3A] : memref<12288x32xf32, #tpu.memory_space<hbm>> -> memref<128x32xf32, #tpu.memory_space<hbm>>
        %dma_wait3A_76 = arith.constant 0 : i32
        %dma_wait3A_77 = tpu.memref_slice %arg13[%add3A_63, %dma_wait3A_76] : memref<12288x32xf32, #tpu.memory_space<vmem_shared>> -> memref<128x32xf32, #tpu.memory_space<vmem_shared>>
        tpu.wait_dma2 semaphore(%run_scoped3A : memref<!tpu.dma_semaphore, #tpu.memory_space<semaphore_mem>>) src(%dma_wait3A_77 : memref<128x32xf32, #tpu.memory_space<vmem_shared>>) dst(%dma_wait3A_75 : memref<128x32xf32, #tpu.memory_space<hbm>>)
        tpu.yield
      }) : () -> ()
      %mul3A_64 = arith.constant 768 : i32
      %mul3A_65 = arith.muli %arg1, %mul3A_64 : i32
      %add3A_66 = arith.constant 512 : i32
      %add3A_67 = arith.addi %mul3A_65, %add3A_66 : i32
      "tpu.region"() ({
        %run_scoped3A = tpu.sem_alloc : memref<!tpu.dma_semaphore, #tpu.memory_space<semaphore_mem>>
        %dma_start3A = arith.constant 0 : i32
        %dma_start3A_72 = tpu.memref_slice %arg8[%add3A_67, %dma_start3A] : memref<12288x32xf32, #tpu.memory_space<hbm>> -> memref<128x32xf32, #tpu.memory_space<hbm>>
        %dma_start3A_73 = arith.constant 0 : i32
        %dma_start3A_74 = tpu.memref_slice %arg13[%add3A_67, %dma_start3A_73] : memref<12288x32xf32, #tpu.memory_space<vmem_shared>> -> memref<128x32xf32, #tpu.memory_space<vmem_shared>>
        tpu.enqueue_dma source(%dma_start3A_74 : memref<128x32xf32, #tpu.memory_space<vmem_shared>>) target(%dma_start3A_72 : memref<128x32xf32, #tpu.memory_space<hbm>>) target_semaphore(%run_scoped3A : memref<!tpu.dma_semaphore, #tpu.memory_space<semaphore_mem>>)
        %dma_wait3A = arith.constant 0 : i32
        %dma_wait3A_75 = tpu.memref_slice %arg8[%add3A_67, %dma_wait3A] : memref<12288x32xf32, #tpu.memory_space<hbm>> -> memref<128x32xf32, #tpu.memory_space<hbm>>
        %dma_wait3A_76 = arith.constant 0 : i32
        %dma_wait3A_77 = tpu.memref_slice %arg13[%add3A_67, %dma_wait3A_76] : memref<12288x32xf32, #tpu.memory_space<vmem_shared>> -> memref<128x32xf32, #tpu.memory_space<vmem_shared>>
        tpu.wait_dma2 semaphore(%run_scoped3A : memref<!tpu.dma_semaphore, #tpu.memory_space<semaphore_mem>>) src(%dma_wait3A_77 : memref<128x32xf32, #tpu.memory_space<vmem_shared>>) dst(%dma_wait3A_75 : memref<128x32xf32, #tpu.memory_space<hbm>>)
        tpu.yield
      }) : () -> ()
      %mul3A_68 = arith.constant 768 : i32
      %mul3A_69 = arith.muli %arg1, %mul3A_68 : i32
      %add3A_70 = arith.constant 640 : i32
      %add3A_71 = arith.addi %mul3A_69, %add3A_70 : i32
      "tpu.region"() ({
        %run_scoped3A = tpu.sem_alloc : memref<!tpu.dma_semaphore, #tpu.memory_space<semaphore_mem>>
        %dma_start3A = arith.constant 0 : i32
        %dma_start3A_72 = tpu.memref_slice %arg8[%add3A_71, %dma_start3A] : memref<12288x32xf32, #tpu.memory_space<hbm>> -> memref<128x32xf32, #tpu.memory_space<hbm>>
        %dma_start3A_73 = arith.constant 0 : i32
        %dma_start3A_74 = tpu.memref_slice %arg13[%add3A_71, %dma_start3A_73] : memref<12288x32xf32, #tpu.memory_space<vmem_shared>> -> memref<128x32xf32, #tpu.memory_space<vmem_shared>>
        tpu.enqueue_dma source(%dma_start3A_74 : memref<128x32xf32, #tpu.memory_space<vmem_shared>>) target(%dma_start3A_72 : memref<128x32xf32, #tpu.memory_space<hbm>>) target_semaphore(%run_scoped3A : memref<!tpu.dma_semaphore, #tpu.memory_space<semaphore_mem>>)
        %dma_wait3A = arith.constant 0 : i32
        %dma_wait3A_75 = tpu.memref_slice %arg8[%add3A_71, %dma_wait3A] : memref<12288x32xf32, #tpu.memory_space<hbm>> -> memref<128x32xf32, #tpu.memory_space<hbm>>
        %dma_wait3A_76 = arith.constant 0 : i32
        %dma_wait3A_77 = tpu.memref_slice %arg13[%add3A_71, %dma_wait3A_76] : memref<12288x32xf32, #tpu.memory_space<vmem_shared>> -> memref<128x32xf32, #tpu.memory_space<vmem_shared>>
        tpu.wait_dma2 semaphore(%run_scoped3A : memref<!tpu.dma_semaphore, #tpu.memory_space<semaphore_mem>>) src(%dma_wait3A_77 : memref<128x32xf32, #tpu.memory_space<vmem_shared>>) dst(%dma_wait3A_75 : memref<128x32xf32, #tpu.memory_space<hbm>>)
        tpu.yield
      }) : () -> ()
    } else {
    }
    return
  }
}

module attributes {stable_mosaic.version = 14 : i64} {
  func.func @_proj1_body(%arg0: i32, %arg1: memref<1024x672xf32, #tpu.memory_space<vmem>>, %arg2: memref<672x256xf32, #tpu.memory_space<vmem>>, %arg3: memref<1x128xf32, #tpu.memory_space<vmem>>, %arg4: memref<1024x64xf32, #tpu.memory_space<vmem>>, %arg5: memref<1024x64xf32, #tpu.memory_space<vmem>>, %arg6: memref<1024x128xf32, #tpu.memory_space<vmem>>) attributes {dimension_semantics = [#tpu.dimension_semantics<arbitrary>], iteration_bounds = array<i64: 12>, scalar_prefetch = 0 : i64, scratch_operands = 0 : i64, tpu.core_type = #tpu.core_type<tc>, window_params = [{transform_indices = @transform_0, window_bounds = array<i64: 1024, 672>}, {pipeline_mode = #tpu.pipeline_mode<synchronous>, transform_indices = @transform_1, window_bounds = array<i64: 672, 256>}, {pipeline_mode = #tpu.pipeline_mode<synchronous>, transform_indices = @transform_2, window_bounds = array<i64: 1, 128>}, {transform_indices = @transform_3, window_bounds = array<i64: 1024, 64>}, {transform_indices = @transform_4, window_bounds = array<i64: 1024, 64>}, {transform_indices = @transform_5, window_bounds = array<i64: 1024, 128>}]} {
    %get3A = arith.constant 0 : index
    %get3A_0 = arith.constant 0 : index
    %get3A_1 = vector.load %arg1[%get3A, %get3A_0] : memref<1024x672xf32, #tpu.memory_space<vmem>>, vector<1024x672xf32>
    %get3A_2 = arith.constant 0 : index
    %get3A_3 = arith.constant 0 : index
    %get3A_4 = vector.load %arg2[%get3A_2, %get3A_3] : memref<672x256xf32, #tpu.memory_space<vmem>>, vector<672x256xf32>
    %dot_general3A = arith.constant dense<0.000000e+00> : vector<1024x256xf32>
    %dot_general3A_5 = tpu.matmul %get3A_1, %get3A_4, %dot_general3A {dimension_numbers = #tpu.dot_dimension_numbers<[1], [0], [0], [1], [0, 0, 1, 1], [], []>, transpose_lhs_hint = false} : vector<1024x672xf32>, vector<672x256xf32>, vector<1024x256xf32> -> vector<1024x256xf32>
    %slice3A = vector.extract_strided_slice %dot_general3A_5 {offsets = [0, 0], sizes = [1024, 64], strides = [1, 1]} : vector<1024x256xf32> to vector<1024x64xf32>
    %swap3A = arith.constant 0 : index
    %swap3A_6 = arith.constant 0 : index
    %swap3A_7 = vector.load %arg4[%swap3A, %swap3A_6] : memref<1024x64xf32, #tpu.memory_space<vmem>>, vector<1024x64xf32>
    tpu.vector_store %arg4[%swap3A, %swap3A_6], %slice3A {strides = array<i32>} : memref<1024x64xf32, #tpu.memory_space<vmem>>, vector<1024x64xf32>,
    %slice3A_8 = vector.extract_strided_slice %dot_general3A_5 {offsets = [0, 64], sizes = [1024, 64], strides = [1, 1]} : vector<1024x256xf32> to vector<1024x64xf32>
    %swap3A_9 = arith.constant 0 : index
    %swap3A_10 = arith.constant 0 : index
    %swap3A_11 = vector.load %arg5[%swap3A_9, %swap3A_10] : memref<1024x64xf32, #tpu.memory_space<vmem>>, vector<1024x64xf32>
    tpu.vector_store %arg5[%swap3A_9, %swap3A_10], %slice3A_8 {strides = array<i32>} : memref<1024x64xf32, #tpu.memory_space<vmem>>, vector<1024x64xf32>,
    %slice3A_12 = vector.extract_strided_slice %dot_general3A_5 {offsets = [0, 128], sizes = [1024, 128], strides = [1, 1]} : vector<1024x256xf32> to vector<1024x128xf32>
    %get3A_13 = arith.constant 0 : index
    %get3A_14 = arith.constant 0 : index
    %get3A_15 = vector.load %arg3[%get3A_13, %get3A_14] : memref<1x128xf32, #tpu.memory_space<vmem>>, vector<1x128xf32>
    %add3A = vector.broadcast %get3A_15 : vector<1x128xf32> to vector<1024x128xf32>
    %add3A_16 = arith.addf %slice3A_12, %add3A : vector<1024x128xf32>
    %swap3A_17 = arith.constant 0 : index
    %swap3A_18 = arith.constant 0 : index
    %swap3A_19 = vector.load %arg6[%swap3A_17, %swap3A_18] : memref<1024x128xf32, #tpu.memory_space<vmem>>, vector<1024x128xf32>
    tpu.vector_store %arg6[%swap3A_17, %swap3A_18], %add3A_16 {strides = array<i32>} : memref<1024x128xf32, #tpu.memory_space<vmem>>, vector<1024x128xf32>,
    return
  }
  func.func @transform_0(%arg0: i32) -> (i32, i32) {
    %c0_i32 = arith.constant 0 : i32
    %c0_i32_0 = arith.constant 0 : i32
    return %arg0, %c0_i32 : i32, i32
  }
  func.func @transform_1(%arg0: i32) -> (i32, i32) {
    %c0_i32 = arith.constant 0 : i32
    %c0_i32_0 = arith.constant 0 : i32
    %c0_i32_1 = arith.constant 0 : i32
    return %c0_i32, %c0_i32_0 : i32, i32
  }
  func.func @transform_2(%arg0: i32) -> (i32, i32) {
    %c0_i32 = arith.constant 0 : i32
    %c0_i32_0 = arith.constant 0 : i32
    %c0_i32_1 = arith.constant 0 : i32
    return %c0_i32, %c0_i32_0 : i32, i32
  }
  func.func @transform_3(%arg0: i32) -> (i32, i32) {
    %c0_i32 = arith.constant 0 : i32
    %c0_i32_0 = arith.constant 0 : i32
    return %arg0, %c0_i32 : i32, i32
  }
  func.func @transform_4(%arg0: i32) -> (i32, i32) {
    %c0_i32 = arith.constant 0 : i32
    %c0_i32_0 = arith.constant 0 : i32
    return %arg0, %c0_i32 : i32, i32
  }
  func.func @transform_5(%arg0: i32) -> (i32, i32) {
    %c0_i32 = arith.constant 0 : i32
    %c0_i32_0 = arith.constant 0 : i32
    return %arg0, %c0_i32 : i32, i32
  }
}

module attributes {stable_mosaic.version = 14 : i64} {
  func.func @_proj2_body(%arg0: i32, %arg1: memref<1024x64xf32, #tpu.memory_space<vmem>>, %arg2: memref<1024x64xf32, #tpu.memory_space<vmem>>, %arg3: memref<1024x128xf32, #tpu.memory_space<vmem>>, %arg4: memref<128x128xf32, #tpu.memory_space<vmem>>, %arg5: memref<1x64xf32, #tpu.memory_space<vmem>>, %arg6: memref<1024x32xf32, #tpu.memory_space<vmem>>, %arg7: memref<1024x32xf32, #tpu.memory_space<vmem>>, %arg8: memref<1024x64xf32, #tpu.memory_space<vmem>>) attributes {dimension_semantics = [#tpu.dimension_semantics<arbitrary>], iteration_bounds = array<i64: 12>, scalar_prefetch = 0 : i64, scratch_operands = 0 : i64, tpu.core_type = #tpu.core_type<tc>, window_params = [{transform_indices = @transform_0, window_bounds = array<i64: 1024, 64>}, {transform_indices = @transform_1, window_bounds = array<i64: 1024, 64>}, {transform_indices = @transform_2, window_bounds = array<i64: 1024, 128>}, {pipeline_mode = #tpu.pipeline_mode<synchronous>, transform_indices = @transform_3, window_bounds = array<i64: 128, 128>}, {pipeline_mode = #tpu.pipeline_mode<synchronous>, transform_indices = @transform_4, window_bounds = array<i64: 1, 64>}, {transform_indices = @transform_5, window_bounds = array<i64: 1024, 32>}, {transform_indices = @transform_6, window_bounds = array<i64: 1024, 32>}, {transform_indices = @transform_7, window_bounds = array<i64: 1024, 64>}]} {
    %get3A = arith.constant 0 : index
    %get3A_0 = arith.constant 0 : index
    %get3A_1 = vector.load %arg3[%get3A, %get3A_0] : memref<1024x128xf32, #tpu.memory_space<vmem>>, vector<1024x128xf32>
    %get3A_2 = arith.constant 0 : index
    %get3A_3 = arith.constant 0 : index
    %get3A_4 = vector.load %arg1[%get3A_2, %get3A_3] : memref<1024x64xf32, #tpu.memory_space<vmem>>, vector<1024x64xf32>
    %slice3A = vector.extract_strided_slice %get3A_1 {offsets = [0, 0], sizes = [1024, 64], strides = [1, 1]} : vector<1024x128xf32> to vector<1024x64xf32>
    %add3A = arith.addf %get3A_4, %slice3A : vector<1024x64xf32>
    %tanh3A = math.tanh %add3A : vector<1024x64xf32>
    %get3A_5 = arith.constant 0 : index
    %get3A_6 = arith.constant 0 : index
    %get3A_7 = vector.load %arg2[%get3A_5, %get3A_6] : memref<1024x64xf32, #tpu.memory_space<vmem>>, vector<1024x64xf32>
    %slice3A_8 = vector.extract_strided_slice %get3A_1 {offsets = [0, 64], sizes = [1024, 64], strides = [1, 1]} : vector<1024x128xf32> to vector<1024x64xf32>
    %add3A_9 = arith.addf %get3A_7, %slice3A_8 : vector<1024x64xf32>
    %tanh3A_10 = math.tanh %add3A_9 : vector<1024x64xf32>
    %get3A_11 = arith.constant 0 : index
    %get3A_12 = arith.constant 0 : index
    %get3A_13 = vector.load %arg4[%get3A_11, %get3A_12] : memref<128x128xf32, #tpu.memory_space<vmem>>, vector<64x128xf32>
    %dot_general3A = arith.constant dense<0.000000e+00> : vector<1024x128xf32>
    %dot_general3A_14 = tpu.matmul %tanh3A, %get3A_13, %dot_general3A {dimension_numbers = #tpu.dot_dimension_numbers<[1], [0], [0], [1], [0, 0, 1, 1], [], []>, transpose_lhs_hint = false} : vector<1024x64xf32>, vector<64x128xf32>, vector<1024x128xf32> -> vector<1024x128xf32>
    %get3A_15 = arith.constant 64 : index
    %get3A_16 = arith.constant 0 : index
    %get3A_17 = vector.load %arg4[%get3A_15, %get3A_16] : memref<128x128xf32, #tpu.memory_space<vmem>>, vector<64x128xf32>
    %dot_general3A_18 = arith.constant dense<0.000000e+00> : vector<1024x128xf32>
    %dot_general3A_19 = tpu.matmul %tanh3A_10, %get3A_17, %dot_general3A_18 {dimension_numbers = #tpu.dot_dimension_numbers<[1], [0], [0], [1], [0, 0, 1, 1], [], []>, transpose_lhs_hint = false} : vector<1024x64xf32>, vector<64x128xf32>, vector<1024x128xf32> -> vector<1024x128xf32>
    %add3A_20 = arith.addf %dot_general3A_14, %dot_general3A_19 : vector<1024x128xf32>
    %slice3A_21 = vector.extract_strided_slice %add3A_20 {offsets = [0, 0], sizes = [1024, 32], strides = [1, 1]} : vector<1024x128xf32> to vector<1024x32xf32>
    %swap3A = arith.constant 0 : index
    %swap3A_22 = arith.constant 0 : index
    %swap3A_23 = vector.load %arg6[%swap3A, %swap3A_22] : memref<1024x32xf32, #tpu.memory_space<vmem>>, vector<1024x32xf32>
    tpu.vector_store %arg6[%swap3A, %swap3A_22], %slice3A_21 {strides = array<i32>} : memref<1024x32xf32, #tpu.memory_space<vmem>>, vector<1024x32xf32>,
    %slice3A_24 = vector.extract_strided_slice %add3A_20 {offsets = [0, 32], sizes = [1024, 32], strides = [1, 1]} : vector<1024x128xf32> to vector<1024x32xf32>
    %swap3A_25 = arith.constant 0 : index
    %swap3A_26 = arith.constant 0 : index
    %swap3A_27 = vector.load %arg7[%swap3A_25, %swap3A_26] : memref<1024x32xf32, #tpu.memory_space<vmem>>, vector<1024x32xf32>
    tpu.vector_store %arg7[%swap3A_25, %swap3A_26], %slice3A_24 {strides = array<i32>} : memref<1024x32xf32, #tpu.memory_space<vmem>>, vector<1024x32xf32>,
    %slice3A_28 = vector.extract_strided_slice %add3A_20 {offsets = [0, 64], sizes = [1024, 64], strides = [1, 1]} : vector<1024x128xf32> to vector<1024x64xf32>
    %get3A_29 = arith.constant 0 : index
    %get3A_30 = arith.constant 0 : index
    %get3A_31 = vector.load %arg5[%get3A_29, %get3A_30] : memref<1x64xf32, #tpu.memory_space<vmem>>, vector<1x64xf32>
    %add3A_32 = vector.broadcast %get3A_31 : vector<1x64xf32> to vector<1024x64xf32>
    %add3A_33 = arith.addf %slice3A_28, %add3A_32 : vector<1024x64xf32>
    %swap3A_34 = arith.constant 0 : index
    %swap3A_35 = arith.constant 0 : index
    %swap3A_36 = vector.load %arg8[%swap3A_34, %swap3A_35] : memref<1024x64xf32, #tpu.memory_space<vmem>>, vector<1024x64xf32>
    tpu.vector_store %arg8[%swap3A_34, %swap3A_35], %add3A_33 {strides = array<i32>} : memref<1024x64xf32, #tpu.memory_space<vmem>>, vector<1024x64xf32>,
    return
  }
  func.func @transform_0(%arg0: i32) -> (i32, i32) {
    %c0_i32 = arith.constant 0 : i32
    %c0_i32_0 = arith.constant 0 : i32
    return %arg0, %c0_i32 : i32, i32
  }
  func.func @transform_1(%arg0: i32) -> (i32, i32) {
    %c0_i32 = arith.constant 0 : i32
    %c0_i32_0 = arith.constant 0 : i32
    return %arg0, %c0_i32 : i32, i32
  }
  func.func @transform_2(%arg0: i32) -> (i32, i32) {
    %c0_i32 = arith.constant 0 : i32
    %c0_i32_0 = arith.constant 0 : i32
    return %arg0, %c0_i32 : i32, i32
  }
  func.func @transform_3(%arg0: i32) -> (i32, i32) {
    %c0_i32 = arith.constant 0 : i32
    %c0_i32_0 = arith.constant 0 : i32
    %c0_i32_1 = arith.constant 0 : i32
    return %c0_i32, %c0_i32_0 : i32, i32
  }
  func.func @transform_4(%arg0: i32) -> (i32, i32) {
    %c0_i32 = arith.constant 0 : i32
    %c0_i32_0 = arith.constant 0 : i32
    %c0_i32_1 = arith.constant 0 : i32
    return %c0_i32, %c0_i32_0 : i32, i32
  }
  func.func @transform_5(%arg0: i32) -> (i32, i32) {
    %c0_i32 = arith.constant 0 : i32
    %c0_i32_0 = arith.constant 0 : i32
    return %arg0, %c0_i32 : i32, i32
  }
  func.func @transform_6(%arg0: i32) -> (i32, i32) {
    %c0_i32 = arith.constant 0 : i32
    %c0_i32_0 = arith.constant 0 : i32
    return %arg0, %c0_i32 : i32, i32
  }
  func.func @transform_7(%arg0: i32) -> (i32, i32) {
    %c0_i32 = arith.constant 0 : i32
    %c0_i32_0 = arith.constant 0 : i32
    return %arg0, %c0_i32 : i32, i32
  }
}

module attributes {stable_mosaic.version = 14 : i64} {
  func.func @_pool_body(%arg0: i32, %arg1: memref<32x32x32xf32, #tpu.memory_space<vmem>>, %arg2: memref<32x32x32xf32, #tpu.memory_space<vmem>>, %arg3: memref<32x32x64xf32, #tpu.memory_space<vmem>>, %arg4: memref<32x64xf32, #tpu.memory_space<vmem>>) attributes {dimension_semantics = [#tpu.dimension_semantics<arbitrary>], iteration_bounds = array<i64: 12>, scalar_prefetch = 0 : i64, scratch_operands = 0 : i64, tpu.core_type = #tpu.core_type<tc>, window_params = [{transform_indices = @transform_0, window_bounds = array<i64: 32, 32, 32>}, {transform_indices = @transform_1, window_bounds = array<i64: 32, 32, 32>}, {transform_indices = @transform_2, window_bounds = array<i64: 32, 32, 64>}, {transform_indices = @transform_3, window_bounds = array<i64: 32, 64>}]} {
    %get3A = arith.constant 0 : index
    %get3A_0 = arith.constant 0 : index
    %get3A_1 = arith.constant 0 : index
    %get3A_2 = vector.load %arg3[%get3A, %get3A_0, %get3A_1] : memref<32x32x64xf32, #tpu.memory_space<vmem>>, vector<32x32x64xf32>
    %get3A_3 = arith.constant 0 : index
    %get3A_4 = arith.constant 0 : index
    %get3A_5 = arith.constant 0 : index
    %get3A_6 = vector.load %arg1[%get3A_3, %get3A_4, %get3A_5] : memref<32x32x32xf32, #tpu.memory_space<vmem>>, vector<32x32x32xf32>
    %slice3A = vector.extract_strided_slice %get3A_2 {offsets = [0, 0, 0], sizes = [32, 32, 32], strides = [1, 1, 1]} : vector<32x32x64xf32> to vector<32x32x32xf32>
    %add3A = arith.addf %get3A_6, %slice3A : vector<32x32x32xf32>
    %tanh3A = math.tanh %add3A : vector<32x32x32xf32>
    %get3A_7 = arith.constant 0 : index
    %get3A_8 = arith.constant 0 : index
    %get3A_9 = arith.constant 0 : index
    %get3A_10 = vector.load %arg2[%get3A_7, %get3A_8, %get3A_9] : memref<32x32x32xf32, #tpu.memory_space<vmem>>, vector<32x32x32xf32>
    %slice3A_11 = vector.extract_strided_slice %get3A_2 {offsets = [0, 0, 32], sizes = [32, 32, 32], strides = [1, 1, 1]} : vector<32x32x64xf32> to vector<32x32x32xf32>
    %add3A_12 = arith.addf %get3A_10, %slice3A_11 : vector<32x32x32xf32>
    %tanh3A_13 = math.tanh %add3A_12 : vector<32x32x32xf32>
    %reduce_sum3A = arith.constant dense<0.000000e+00> : vector<32x32xf32>
    %reduce_sum3A_14 = vector.multi_reduction <add>, %tanh3A, %reduce_sum3A [1] : vector<32x32x32xf32> to vector<32x32xf32>
    %mul3A = arith.constant 3.125000e-02 : f32
    %mul3A_15 = vector.broadcast %mul3A : f32 to vector<32x32xf32>
    %mul3A_16 = arith.mulf %reduce_sum3A_14, %mul3A_15 : vector<32x32xf32>
    %swap3A = arith.constant 0 : index
    %swap3A_17 = arith.constant 0 : index
    %swap3A_18 = vector.load %arg4[%swap3A, %swap3A_17] : memref<32x64xf32, #tpu.memory_space<vmem>>, vector<32x32xf32>
    tpu.vector_store %arg4[%swap3A, %swap3A_17], %mul3A_16 {strides = array<i32>} : memref<32x64xf32, #tpu.memory_space<vmem>>, vector<32x32xf32>,
    %reduce_sum3A_19 = arith.constant dense<0.000000e+00> : vector<32x32xf32>
    %reduce_sum3A_20 = vector.multi_reduction <add>, %tanh3A_13, %reduce_sum3A_19 [1] : vector<32x32x32xf32> to vector<32x32xf32>
    %mul3A_21 = arith.constant 3.125000e-02 : f32
    %mul3A_22 = vector.broadcast %mul3A_21 : f32 to vector<32x32xf32>
    %mul3A_23 = arith.mulf %reduce_sum3A_20, %mul3A_22 : vector<32x32xf32>
    %swap3A_24 = arith.constant 0 : index
    %swap3A_25 = arith.constant 32 : index
    %swap3A_26 = vector.load %arg4[%swap3A_24, %swap3A_25] : memref<32x64xf32, #tpu.memory_space<vmem>>, vector<32x32xf32>
    tpu.vector_store %arg4[%swap3A_24, %swap3A_25], %mul3A_23 {strides = array<i32>} : memref<32x64xf32, #tpu.memory_space<vmem>>, vector<32x32xf32>,
    return
  }
  func.func @transform_0(%arg0: i32) -> (i32, i32, i32) {
    %c0_i32 = arith.constant 0 : i32
    %c0_i32_0 = arith.constant 0 : i32
    %c0_i32_1 = arith.constant 0 : i32
    return %arg0, %c0_i32, %c0_i32_0 : i32, i32, i32
  }
  func.func @transform_1(%arg0: i32) -> (i32, i32, i32) {
    %c0_i32 = arith.constant 0 : i32
    %c0_i32_0 = arith.constant 0 : i32
    %c0_i32_1 = arith.constant 0 : i32
    return %arg0, %c0_i32, %c0_i32_0 : i32, i32, i32
  }
  func.func @transform_2(%arg0: i32) -> (i32, i32, i32) {
    %c0_i32 = arith.constant 0 : i32
    %c0_i32_0 = arith.constant 0 : i32
    %c0_i32_1 = arith.constant 0 : i32
    return %arg0, %c0_i32, %c0_i32_0 : i32, i32, i32
  }
  func.func @transform_3(%arg0: i32) -> (i32, i32) {
    %c0_i32 = arith.constant 0 : i32
    %c0_i32_0 = arith.constant 0 : i32
    return %arg0, %c0_i32 : i32, i32
  }
}

module attributes {stable_mosaic.version = 14 : i64} {
  func.func @_head_body(%arg0: memref<32x768xf32, #tpu.memory_space<vmem>>, %arg1: memref<768x504xf32, #tpu.memory_space<vmem>>, %arg2: memref<1x504xf32, #tpu.memory_space<vmem>>, %arg3: memref<504x248xf32, #tpu.memory_space<vmem>>, %arg4: memref<1x248xf32, #tpu.memory_space<vmem>>, %arg5: memref<248x61xf32, #tpu.memory_space<vmem>>, %arg6: memref<1x61xf32, #tpu.memory_space<vmem>>, %arg7: memref<61x16xf32, #tpu.memory_space<vmem>>, %arg8: memref<1x16xf32, #tpu.memory_space<vmem>>, %arg9: memref<16x8xf32, #tpu.memory_space<vmem>>, %arg10: memref<1x8xf32, #tpu.memory_space<vmem>>, %arg11: memref<8x1xf32, #tpu.memory_space<vmem>>, %arg12: memref<1x1xf32, #tpu.memory_space<vmem>>, %arg13: memref<32x1xf32, #tpu.memory_space<vmem>>) attributes {dimension_semantics = [], scalar_prefetch = 0 : i64, scratch_operands = 0 : i64, tpu.core_type = #tpu.core_type<tc>} {
    %get3A = arith.constant 0 : index
    %get3A_0 = arith.constant 0 : index
    %get3A_1 = vector.load %arg0[%get3A, %get3A_0] : memref<32x768xf32, #tpu.memory_space<vmem>>, vector<32x768xf32>
    %get3A_2 = arith.constant 0 : index
    %get3A_3 = arith.constant 0 : index
    %get3A_4 = vector.load %arg1[%get3A_2, %get3A_3] : memref<768x504xf32, #tpu.memory_space<vmem>>, vector<768x504xf32>
    %dot_general3A = arith.constant dense<0.000000e+00> : vector<32x504xf32>
    %dot_general3A_5 = tpu.matmul %get3A_1, %get3A_4, %dot_general3A {dimension_numbers = #tpu.dot_dimension_numbers<[1], [0], [0], [1], [0, 0, 1, 1], [], []>, transpose_lhs_hint = false} : vector<32x768xf32>, vector<768x504xf32>, vector<32x504xf32> -> vector<32x504xf32>
    %get3A_6 = arith.constant 0 : index
    %get3A_7 = arith.constant 0 : index
    %get3A_8 = vector.load %arg2[%get3A_6, %get3A_7] : memref<1x504xf32, #tpu.memory_space<vmem>>, vector<1x504xf32>
    %add3A = vector.broadcast %get3A_8 : vector<1x504xf32> to vector<32x504xf32>
    %add3A_9 = arith.addf %dot_general3A_5, %add3A : vector<32x504xf32>
    %max3A = arith.constant 0.000000e+00 : f32
    %max3A_10 = vector.broadcast %max3A : f32 to vector<32x504xf32>
    %max3A_11 = arith.maximumf %add3A_9, %max3A_10 : vector<32x504xf32>
    %get3A_12 = arith.constant 0 : index
    %get3A_13 = arith.constant 0 : index
    %get3A_14 = vector.load %arg3[%get3A_12, %get3A_13] : memref<504x248xf32, #tpu.memory_space<vmem>>, vector<504x248xf32>
    %dot_general3A_15 = arith.constant dense<0.000000e+00> : vector<32x248xf32>
    %dot_general3A_16 = tpu.matmul %max3A_11, %get3A_14, %dot_general3A_15 {dimension_numbers = #tpu.dot_dimension_numbers<[1], [0], [0], [1], [0, 0, 1, 1], [], []>, transpose_lhs_hint = false} : vector<32x504xf32>, vector<504x248xf32>, vector<32x248xf32> -> vector<32x248xf32>
    %get3A_17 = arith.constant 0 : index
    %get3A_18 = arith.constant 0 : index
    %get3A_19 = vector.load %arg4[%get3A_17, %get3A_18] : memref<1x248xf32, #tpu.memory_space<vmem>>, vector<1x248xf32>
    %add3A_20 = vector.broadcast %get3A_19 : vector<1x248xf32> to vector<32x248xf32>
    %add3A_21 = arith.addf %dot_general3A_16, %add3A_20 : vector<32x248xf32>
    %max3A_22 = arith.constant 0.000000e+00 : f32
    %max3A_23 = vector.broadcast %max3A_22 : f32 to vector<32x248xf32>
    %max3A_24 = arith.maximumf %add3A_21, %max3A_23 : vector<32x248xf32>
    %get3A_25 = arith.constant 0 : index
    %get3A_26 = arith.constant 0 : index
    %get3A_27 = vector.load %arg5[%get3A_25, %get3A_26] : memref<248x61xf32, #tpu.memory_space<vmem>>, vector<248x61xf32>
    %dot_general3A_28 = arith.constant dense<0.000000e+00> : vector<32x61xf32>
    %dot_general3A_29 = tpu.matmul %max3A_24, %get3A_27, %dot_general3A_28 {dimension_numbers = #tpu.dot_dimension_numbers<[1], [0], [0], [1], [0, 0, 1, 1], [], []>, transpose_lhs_hint = false} : vector<32x248xf32>, vector<248x61xf32>, vector<32x61xf32> -> vector<32x61xf32>
    %get3A_30 = arith.constant 0 : index
    %get3A_31 = arith.constant 0 : index
    %get3A_32 = vector.load %arg6[%get3A_30, %get3A_31] : memref<1x61xf32, #tpu.memory_space<vmem>>, vector<1x61xf32>
    %add3A_33 = vector.broadcast %get3A_32 : vector<1x61xf32> to vector<32x61xf32>
    %add3A_34 = arith.addf %dot_general3A_29, %add3A_33 : vector<32x61xf32>
    %max3A_35 = arith.constant 0.000000e+00 : f32
    %max3A_36 = vector.broadcast %max3A_35 : f32 to vector<32x61xf32>
    %max3A_37 = arith.maximumf %add3A_34, %max3A_36 : vector<32x61xf32>
    %get3A_38 = arith.constant 0 : index
    %get3A_39 = arith.constant 0 : index
    %get3A_40 = vector.load %arg7[%get3A_38, %get3A_39] : memref<61x16xf32, #tpu.memory_space<vmem>>, vector<61x16xf32>
    %dot_general3A_41 = arith.constant dense<0.000000e+00> : vector<32x16xf32>
    %dot_general3A_42 = tpu.matmul %max3A_37, %get3A_40, %dot_general3A_41 {dimension_numbers = #tpu.dot_dimension_numbers<[1], [0], [0], [1], [0, 0, 1, 1], [], []>, transpose_lhs_hint = false} : vector<32x61xf32>, vector<61x16xf32>, vector<32x16xf32> -> vector<32x16xf32>
    %get3A_43 = arith.constant 0 : index
    %get3A_44 = arith.constant 0 : index
    %get3A_45 = vector.load %arg8[%get3A_43, %get3A_44] : memref<1x16xf32, #tpu.memory_space<vmem>>, vector<1x16xf32>
    %add3A_46 = vector.broadcast %get3A_45 : vector<1x16xf32> to vector<32x16xf32>
    %add3A_47 = arith.addf %dot_general3A_42, %add3A_46 : vector<32x16xf32>
    %max3A_48 = arith.constant 0.000000e+00 : f32
    %max3A_49 = vector.broadcast %max3A_48 : f32 to vector<32x16xf32>
    %max3A_50 = arith.maximumf %add3A_47, %max3A_49 : vector<32x16xf32>
    %get3A_51 = arith.constant 0 : index
    %get3A_52 = arith.constant 0 : index
    %get3A_53 = vector.load %arg9[%get3A_51, %get3A_52] : memref<16x8xf32, #tpu.memory_space<vmem>>, vector<16x8xf32>
    %dot_general3A_54 = arith.constant dense<0.000000e+00> : vector<32x8xf32>
    %dot_general3A_55 = tpu.matmul %max3A_50, %get3A_53, %dot_general3A_54 {dimension_numbers = #tpu.dot_dimension_numbers<[1], [0], [0], [1], [0, 0, 1, 1], [], []>, transpose_lhs_hint = false} : vector<32x16xf32>, vector<16x8xf32>, vector<32x8xf32> -> vector<32x8xf32>
    %get3A_56 = arith.constant 0 : index
    %get3A_57 = arith.constant 0 : index
    %get3A_58 = vector.load %arg10[%get3A_56, %get3A_57] : memref<1x8xf32, #tpu.memory_space<vmem>>, vector<1x8xf32>
    %add3A_59 = vector.broadcast %get3A_58 : vector<1x8xf32> to vector<32x8xf32>
    %add3A_60 = arith.addf %dot_general3A_55, %add3A_59 : vector<32x8xf32>
    %max3A_61 = arith.constant 0.000000e+00 : f32
    %max3A_62 = vector.broadcast %max3A_61 : f32 to vector<32x8xf32>
    %max3A_63 = arith.maximumf %add3A_60, %max3A_62 : vector<32x8xf32>
    %get3A_64 = arith.constant 0 : index
    %get3A_65 = arith.constant 0 : index
    %get3A_66 = vector.load %arg11[%get3A_64, %get3A_65] : memref<8x1xf32, #tpu.memory_space<vmem>>, vector<8x1xf32>
    %dot_general3A_67 = arith.constant dense<0.000000e+00> : vector<32x1xf32>
    %dot_general3A_68 = tpu.matmul %max3A_63, %get3A_66, %dot_general3A_67 {dimension_numbers = #tpu.dot_dimension_numbers<[1], [0], [0], [1], [0, 0, 1, 1], [], []>, transpose_lhs_hint = false} : vector<32x8xf32>, vector<8x1xf32>, vector<32x1xf32> -> vector<32x1xf32>
    %get3A_69 = arith.constant 0 : index
    %get3A_70 = arith.constant 0 : index
    %get3A_71 = vector.load %arg12[%get3A_69, %get3A_70] : memref<1x1xf32, #tpu.memory_space<vmem>>, vector<1x1xf32>
    %add3A_72 = vector.broadcast %get3A_71 : vector<1x1xf32> to vector<32x1xf32>
    %add3A_73 = arith.addf %dot_general3A_68, %add3A_72 : vector<32x1xf32>
    %swap3A = arith.constant 0 : index
    %swap3A_74 = arith.constant 0 : index
    %swap3A_75 = vector.load %arg13[%swap3A, %swap3A_74] : memref<32x1xf32, #tpu.memory_space<vmem>>, vector<32x1xf32>
    tpu.vector_store %arg13[%swap3A, %swap3A_74], %add3A_73 {strides = array<i32>} : memref<32x1xf32, #tpu.memory_space<vmem>>, vector<32x1xf32>,
    return
  }
}

</mosaic_0001>

<sc_bundles>
// kernel: kernel.11.cloned.1.call-start
scs
__scs_entry_jumppad:
0x0: {  	(pc) =	sbr.rel $0x88, $3  }
0x1: {  	(tag) =	ssettag $0x0;
	lr =	simm.s32 $0x1  }
0x2: {  	[smem:$0x3F8C] =	sst lr;
	_ =	strace $0xD0000000  }
0x3: {  	_ = 	snop  }
0x4: {  	_ = 	snop  }
0x5: {  	_ = 	snop  }
0x6: {  	_ = 	snop  }
0x7: {  	_ = 	snop  }
__scs_overlays_trampoline_lowered:
0x8: {  	[smem:$0x3F9B] =	sst s0  }
0x9: {  	[smem:$0x3F9C] =	sst s1  }
0xa: {  	[smem:$0x3F9D] =	sst s2  }
0xb: {  	[smem:$0x3F9E] =	sst s3  }
0xc: {  	[smem:$0x3F9F] =	sst s4  }
0xd: {  	[smem:$0x3FA0] =	sst s5  }
0xe: {  	[smem:$0x3FA1] =	sst s6  }
0xf: {  	[smem:$0x3FA2] =	sst s7  }
0x10: {  	[smem:$0x3FA3] =	sst s8  }
0x11: {  	[smem:$0x3FA4] =	sst s9;
	s0 =	simm.s32 @!p0 $0x0  }
0x12: {  	s1 =	sld [smem:$0x3F8A];
	s0 =	simm.s32 @p0 $0x1  }
0x13: {  	[smem:$0x3FA5] =	sst s0;
	s0 =	simm.s32 @!p1 $0x0  }
0x14: {  	s2 =	sld [smem:$0x3F89];
	s0 =	simm.s32 @p1 $0x1  }
0x15: {  	[smem:$0x3FA6] =	sst s0;
	s0 =	simm.s32 @!p2 $0x0  }
0x16: {  	s3 =	sld [smem:$0x3FDB];
	s0 =	simm.s32 @p2 $0x1  }
0x17: {  	s4 =	simm.s32 $0x1BF5;
	[smem:$0x3FA8] =	sst s0  }
0x18: {  	s0 =	sld [smem:$0x3F8B];
	_ =	swait.ge [sflag:s4], $0x0  }
0x19: {  	s7 =	sld [smem:$0x3F8C]  }
0x1a: {  	s8 =	sadd.s32 $0xFFFFE003, lr  }
0x1b: {  	s9 =	sadd.s32 $0xFFFFFEF7, lr;
	s5 =	simm.s32 $0xFFFFFFFF;
	p2 =	slt.u32 s8, $0xFFFFF086  }
0x1c: {  	p1 =	slt.u32 s9, $0xF7A;
	s5 =	simm.s32 @!p2 $0x0  }
0x1d: {  	s5 =	simm.s32 @p1 $0x1;
	p0 =	seq.s32 s7, s2  }
0x1e: {  	s7 =	smul.u32 @!p0 $0xF7A, s2;
	p2 =	seq.s32 @!p0 s5, $0x0  }
0x1f: {  	s9 =	smul.u32 $0xF7A, s1;
	s8 =	simm.s32 @!p0 $0x1BF5;
	p2 =	por !p2, p0  }
0x20: {  	[sflag:s8] =	ssyncset.s32 @!p0 $0xFFFFF086;
	s6 =	sadd.s32 @!p0 s3, s7;
	s7 =	simm.s32 @!p0 $0x108  }
0x21: {  	s3 =	sadd.s32 s3, s9;
	s6 =	sadd.s32 @!p0 $0x88, s6;
	s7 =	simm.s32 @p2 $0x1082  }
0x22: {  	[simem:s7], [sflag:s8] =	dma.local @!p0 [hbm:s6], $0xF7A  }
0x23: {  	s9 =	sor.u32 $0xD0000000, s2;
	s6 =	simm.s32 $0x108;
	_ =	swait.ge @!p0 [sflag:s8], $0x0  }
0x24: {  	s3 =	sadd.s32 $0x88, s3;
	s6 =	simm.s32 @!p1 $0x1082;
	[sflag:s4] =	ssyncset.s32 $0xFFFFF086  }
0x25: {  	[simem:s6], [sflag:s4] =	dma.local [hbm:s3], $0xF7A  }
0x26: {  	[smem:$0x3F8C] =	sst s1;
	(tag) =	ssettag s2;
	_ =	strace s9  }
0x27: {  	s1 =	sld [smem:$0x3F9C]  }
0x28: {  	s2 =	sld [smem:$0x3F9D]  }
0x29: {  	s4 =	sld [smem:$0x3F9F]  }
0x2a: {  	p0 =	seq.s32 s5, $0x0;
	s5 =	sld [smem:$0x3FA0]  }
0x2b: {  	s6 =	sld [smem:$0x3FA1]  }
0x2c: {  	s7 =	sld [smem:$0x3FA2]  }
0x2d: {  	s3 =	simm.s32 $0x108;
	s8 =	sld [smem:$0x3FA3]  }
0x2e: {  	s3 =	simm.s32 @!p0 $0x1082;
	s9 =	sld [smem:$0x3FA4]  }
0x2f: {  	lr =	sadd.s32 s0, s3;
	s0 =	sld [smem:$0x3F9B]  }
0x30: {  	s3 =	sld [smem:$0x3F9E]  }
0x31: {  	[smem:$0x3FA7] =	sst s10  }
0x32: {  	s10 =	sld [smem:$0x3FA5];
	_ =	sdelay $0x3  }
0x33: {  	p0 =	seq.s32 s10, $0x1;
	s10 =	sld [smem:$0x3FA7];
	_ =	sdelay $0x3  }
0x34: {  	[smem:$0x3FA7] =	sst s10  }
0x35: {  	s10 =	sld [smem:$0x3FA6];
	_ =	sdelay $0x3  }
0x36: {  	p1 =	seq.s32 s10, $0x1;
	s10 =	sld [smem:$0x3FA7];
	_ =	sdelay $0x3  }
0x37: {  	[smem:$0x3FA7] =	sst s10  }
0x38: {  	s10 =	sld [smem:$0x3FA8]  }
0x39: {  	_ = 	snop;
	(pc) =	sbr.ind lr, $3  }
0x3a: {  	_ = 	snop  }
0x3b: {  	_ = 	snop  }
0x3c: {  	p2 =	seq.s32 s10, $0x1;
	s10 =	sld [smem:$0x3FA7]  }
0x3d: {  	_ =	shalt  }
0x3e: {  	_ =	shalt  }
0x3f: {  	_ =	shalt  }
0x40: {  	_ =	shalt  }
0x41: {  	_ =	shalt  }
0x42: {  	_ =	shalt  }
0x43: {  	_ =	shalt  }
0x44: {  	_ =	shalt  }
0x45: {  	_ =	shalt  }
0x46: {  	_ =	shalt  }
0x47: {  	_ =	shalt  }
0x48: {  	_ =	shalt  }
0x49: {  	_ =	shalt  }
0x4a: {  	_ =	shalt  }
0x4b: {  	_ =	shalt  }
0x4c: {  	_ =	shalt  }
0x4d: {  	_ =	shalt  }
0x4e: {  	_ =	shalt  }
0x4f: {  	_ =	shalt  }
0x50: {  	_ =	shalt  }
0x51: {  	_ =	shalt  }
0x52: {  	_ =	shalt  }
0x53: {  	_ =	shalt  }
0x54: {  	_ =	shalt  }
0x55: {  	_ =	shalt  }
0x56: {  	_ =	shalt  }
0x57: {  	_ =	shalt  }
0x58: {  	_ =	shalt  }
0x59: {  	_ =	shalt  }
0x5a: {  	_ =	shalt  }
0x5b: {  	_ =	shalt  }
0x5c: {  	_ =	shalt  }
0x5d: {  	_ =	shalt  }
0x5e: {  	_ =	shalt  }
0x5f: {  	_ =	shalt  }
0x60: {  	_ =	shalt  }
0x61: {  	_ =	shalt  }
0x62: {  	_ =	shalt  }
0x63: {  	_ =	shalt  }
0x64: {  	_ =	shalt  }
0x65: {  	_ =	shalt  }
0x66: {  	_ =	shalt  }
0x67: {  	_ =	shalt  }
0x68: {  	_ =	shalt  }
0x69: {  	_ =	shalt  }
0x6a: {  	_ =	shalt  }
0x6b: {  	_ =	shalt  }
0x6c: {  	_ =	shalt  }
0x6d: {  	_ =	shalt  }
0x6e: {  	_ =	shalt  }
0x6f: {  	_ =	shalt  }
0x70: {  	_ =	shalt  }
0x71: {  	_ =	shalt  }
0x72: {  	_ =	shalt  }
0x73: {  	_ =	shalt  }
0x74: {  	_ =	shalt  }
0x75: {  	_ =	shalt  }
0x76: {  	_ =	shalt  }
0x77: {  	_ =	shalt  }
0x78: {  	_ =	shalt  }
0x79: {  	_ =	shalt  }
0x7a: {  	_ =	shalt  }
0x7b: {  	_ =	shalt  }
0x7c: {  	_ =	shalt  }
0x7d: {  	_ =	shalt  }
0x7e: {  	_ =	shalt  }
0x7f: {  	_ =	shalt  }
0x80: {  	_ =	shalt  }
0x81: {  	_ =	shalt  }
0x82: {  	_ =	shalt  }
0x83: {  	_ =	shalt  }
0x84: {  	_ =	shalt  }
0x85: {  	_ =	shalt  }
0x86: {  	_ =	shalt  }
0x87: {  	_ =	shalt  }
.Lfunc_end0:
.L_simem_size_0:
called_computation.1_lowered:
.L_overlay_start_0:
0x88: {  	s2 =	sld [smem:$0x3FD9]  }
0x89: {  	s3 =	sld [smem:$0x3FFE];
	_ =	sdelay $0x1  }
0x8a: {  	s1 =	srdreg.scid  }
0x8b: {  	s0 =	sand.u32 $0x1, s1  }
0x8c: {  	s16 =	sshll.u32 s0, $0xA;
	s2 =	sadd.s32 s3, s2  }
0x8d: {  	s2 =	sadd.s32 s2, s16  }
0x8e: {  	[smem:$0x3FB3] =	sst s2  }
0x8f: {  	_ = 	snop  }
0x90: {  	(tm) =	ssettm $0x1  }
0x91: {  	s17 =	sld [smem:$0x3FFB];
	_ =	sdelay $0x3  }
0x92: {  	_ =	strace s17  }
0x93: {  	s2 =	sld [smem:$0x3FFC];
	_ =	sdelay $0x3  }
0x94: {  	_ =	strace s2  }
0x95: {  	s2 =	sld [smem:$0x3FFD];
	_ =	sdelay $0x3  }
0x96: {  	_ =	strace s2  }
0x97: {  	_ =	strace $0x8FFFFFFF  }
0x98: {  	s18 =	sld [smem:$0x3FDB];
	_ =	sdelay $0x1  }
0x99: {  	s19 =	simm.s32 $_scs_section_size  }
0x9a: {  	s4 =	simm.s32 $_size__tile_overlayer_lowered;
	s5 =	simm.s32 $_tile_overlayer_lowered  }
0x9b: {  	s22 =	simm.s32 $0x1BFF;
	s21 =	sshll.u32 s5, $0x1;
	s2 =	sadd.s32 s19, s18  }
0x9c: {  	s6 =	simm.s32 $0x0;
	s20 =	sshll.u32 s4, $0x1;
	s4 =	sadd.s32 s21, s2  }
0x9d: {  	[timem:s6], [sflag:s22] =	dma.local [hbm:s4], s20  }
0x9e: {  	_ =	swait.ge [sflag:s22], s20  }
0x9f: {  	s3 =	ssub.s32 $0x0, s20;
	[sflag:s22] =	ssyncset.done $0x0  }
0xa0: {  	[sflag:s22] =	ssyncadd.s32 s3;
	_ =	sdelay $0x1  }
0xa1: {  	s23 =	simm.s32 $0x1B8B  }
0xa2: {  	_ =	swait.ge [sflag:s23], $0x1  }
0xa3: {  	[sflag:s23] =	ssyncset.done $0x0  }
0xa4: {  	s25 =	simm.s32 $0x1B8E;
	s24 =	sld [smem:$0x3FFE];
	[sflag:s23] =	ssyncadd.s32 $0xFFFFFFFF  }
0xa5: {  	s26 =	simm.s32 $execute0_lowered;
	[smem:$0x3FD2] =	sst s25  }
0xa6: {  	s4 =	sshll.u32 s26, $0x1;
	_ =	strace $0x80000049;
	[dreg:$0x1] =	wrdreg $0xFFFFFFFF  }
0xa7: {  	s28 =	simm.s32 $_size_execute0_lowered;
	s2 =	sadd.s32 s2, s4;
	[dreg:$0x0] =	wrdreg $0x0  }
0xa8: {  	s4 =	sshll.u32 s28, $0x1;
	[dreg:$0x2] =	wrdreg s2  }
0xa9: {  	[dreg:$0x3] =	wrdreg s4  }
0xaa: {  	[dreg:$0x4] =	wrdreg $0xC0  }
0xab: {  	_ =	task [dreg:s6], $0x5FFFF  }
0xac: {  	[dreg:$0x1] =	wrdreg $0xFFFFFFFF  }
0xad: {  	[dreg:$0x0] =	wrdreg $0x60  }
0xae: {  	[dreg:$0x2] =	wrdreg s24  }
0xaf: {  	[dreg:$0x3] =	wrdreg $0x48000  }
0xb0: {  	[dreg:$0x4] =	wrdreg $0x9  }
0xb1: {  	_ =	task.clear_ibuf [dreg:s6], $0x5FFFF;
	_ =	strace $0x90000049  }
0xb2: {  	s29 =	simm.s32 $0x9;
	_ =	strace $0x8000004B  }
0xb3: {  	_ =	swait.ge [sflag:s29], $0x1  }
0xb4: {  	[sflag:s29] =	ssyncadd.s32 $0xFFFFFFFF  }
0xb5: {  	_ =	strace $0x9000004B  }
0xb6: {  	_ =	sfence  }
0xb7: {  	s30 =	sld [smem:$0x0];
	_ =	sdelay $0x2  }
0xb8: {  	s31 =	sshll.u32 s1, $0xD;
	s1 =	sshrl.u32 s1, $0x2  }
0xb9: {  	s3 =	sand.u32 $0x4000, s31;
	s1 =	sadd.s32 s1, s30  }
0xba: {  	s0 =	sor.u32 s3, s0;
	s1 =	sshll.u32 s1, $0x11  }
0xbb: {  	s0 =	sor.u32 s1, s0  }
0xbc: {  	s0 =	sadd.s32 $0x8F2B, s0  }
0xbd: {  	[sflag:s0] =	ssyncadd.remote.s32 $0x1  }
0xbe: {  	_ =	sfence.sel $0xFFFF  }
0xbf: {  	[dreg:$0x0] =	wrdreg $0xFFFFFFFF;
	(pc) =	sbr.abs _section_cstart, $3  }
0xc0: {  	[dreg:$0x1] =	wrdreg $0xFFFFFFFF  }
0xc1: {  	_ =	task.clear_ibuf [dreg:s6], $0x2FFFF;
	_ =	strace $0x9FFFFFFF  }
0xc2: {  	(tm) =	ssettm $0x7FFFFFFF  }
0xc3: {  	_ =	shalt  }
tec
execute0_lowered:
.L_overlay_start_1:
0x0: {  	(tag) =	ssettag $0x1  }
0x1: {  	s0 =	rddreg [dreg:$0x0]  }
0x2: {  	s2 =	rddreg [dreg:$0x1];
	s3 =	simm.s32 $0x0  }
0x3: {  	s15 =	stileid.u32;
	s6 =	srdreg.scid;
	s29 =	simm.s32 $0x80  }
0x4: {  	s30 =	simm.s32 $0x3000;
	s31 =	simm.s32 $0x1;
	[smem:$0x7FF] =	sst s3  }
0x5: {  	s1 =	smul.u32 $0x300, s15;
	s4 =	sadd.s32 $0x10600, s0;
	s5 =	sadd.s32 $0x4600, s0  }
0x6: {  	s7 =	sand.u32 $0x1, s6;
	s16 =	smul.u32 $0x6000, s15;
	s6 =	sadd.s32 $0x1EA600, s0  }
0x7: {  	s9 =	sadd.s32 $0x1C600, s0;
	s15 =	smul.u32 $0x30, s15;
	_ =	strace $0x8000004A  }
0x8: {  	s8 =	ssub.s32 $0x2, s7;
	[dreg:$0x3] =	wrdreg s9;
	p0 =	sne.s32 s7, $0x0  }
0x9: {  	s1 =	sadd.s32 s1, s0;
	s25 =	sshrl.u32 s8, $0x1;
	s0 =	sadd.s32 $0x28600, s0  }
0xa: {  	s28 =	sor.u32 $0x1000, s16;
	s9 =	sadd.s32 s16, s2;
	s20 =	sadd.s32 $0x2000, s16  }
0xb: {  	s21 =	sadd.s32 $0x3000, s16;
	s22 =	sadd.s32 $0x4000, s16;
	s23 =	sadd.s32 $0x5000, s16  }
0xc: {  	s18 =	sshrl.u32 s16, $0x3;
	[dreg:$0x4] =	wrdreg s0;
	s26 =	ssub.s32 s8, s25  }
0xd: {  	s10 =	sadd.s32 s28, s2;
	s11 =	sadd.s32 s20, s2;
	s12 =	sadd.s32 s21, s2  }
.Ltmp0:
0xe: {  	s13 =	sadd.s32 s22, s2;
	s14 =	sadd.s32 s23, s2;
	(pc) =	sbr.rel .LBB2_1-.Ltmp0, $4  }
0xf: {  	s17 =	sadd.s32 $0x67600, s1;
	s1 =	sadd.s32 $0x64600, s1;
	s19 =	sshrl.u32 s28, $0x3  }
0x10: {  	s20 =	sshrl.u32 s20, $0x3;
	s21 =	sshrl.u32 s21, $0x3;
	s22 =	sshrl.u32 s22, $0x3  }
0x11: {  	s23 =	sshrl.u32 s23, $0x3;
	s25 =	simm.s32 $0x3800;
	[dreg:$0x5] =	wrdreg s17  }
0x12: {  	v0 =	vimm.f32 $0.0e+00;
	[dreg:$0x6] =	wrdreg s1;
	s24 =	smax.u32 s26, $0x1;
	s26 =	simm.s32 $0x2  }
.LBB2_12:
0x13: {  	s7 =	stileid.u32  }
0x14: {  	s1 =	sadd.s32 s0, s18;
	s7 =	sshll.u32 s7, $0x6  }
0x15: {  	[bflag:$0x0] =	sbarrier.arrive $0xFFFF;
	s8 =	sshrl.u32 s9, $0x3;
	s7 =	sor.u32 $0x1C02, s7  }
0x16: {  	[hbm:s1], [sflag:s7] =	dma.local [spmem:s8], $0x200  }
0x17: {  	_ =	swait.ge [sflag:s26], $0x200  }
0x18: {  	[sflag:s26] =	ssyncset.done $0x0  }
0x19: {  	s17 =	sadd.s32 s0, s19;
	s28 =	sshrl.u32 s10, $0x3;
	[sflag:s26] =	ssyncadd.s32 $0xFFFFFE00  }
0x1a: {  	[hbm:s17], [sflag:s7] =	dma.local [spmem:s28], $0x200  }
0x1b: {  	_ =	swait.ge [sflag:s26], $0x200  }
0x1c: {  	[sflag:s26] =	ssyncset.done $0x0  }
0x1d: {  	s16 =	sshrl.u32 s11, $0x3;
	s8 =	sadd.s32 s0, s20;
	[sflag:s26] =	ssyncadd.s32 $0xFFFFFE00  }
0x1e: {  	[hbm:s8], [sflag:s7] =	dma.local [spmem:s16], $0x200  }
0x1f: {  	_ =	swait.ge [sflag:s26], $0x200  }
0x20: {  	[sflag:s26] =	ssyncset.done $0x0  }
0x21: {  	s17 =	sadd.s32 s0, s21;
	s28 =	sshrl.u32 s12, $0x3;
	[sflag:s26] =	ssyncadd.s32 $0xFFFFFE00  }
0x22: {  	[hbm:s17], [sflag:s7] =	dma.local [spmem:s28], $0x200  }
0x23: {  	_ =	swait.ge [sflag:s26], $0x200  }
0x24: {  	[sflag:s26] =	ssyncset.done $0x0  }
0x25: {  	s8 =	sadd.s32 s0, s22;
	s16 =	sshrl.u32 s13, $0x3;
	[sflag:s26] =	ssyncadd.s32 $0xFFFFFE00  }
0x26: {  	[hbm:s8], [sflag:s7] =	dma.local [spmem:s16], $0x200  }
0x27: {  	s3 =	sadd.s32 $0x1, s3;
	_ =	swait.ge [sflag:s26], $0x200  }
0x28: {  	p1 =	sne.s32 s3, s24;
	s17 =	sadd.s32 s0, s23;
	[sflag:s26] =	ssyncset.done $0x0  }
.Ltmp1:
0x29: {  	s28 =	sshrl.u32 s14, $0x3;
	[sflag:s26] =	ssyncadd.s32 $0xFFFFFE00;
	(pc) =	sbr.rel @!p1 .LBB2_13-.Ltmp1, $4  }
0x2a: {  	[hbm:s17], [sflag:s7] =	dma.local [spmem:s28], $0x200  }
0x2b: {  	_ =	swait.ge [sflag:s26], $0x200  }
0x2c: {  	[sflag:s26] =	ssyncset.done $0x0  }
0x2d: {  	[sflag:s26] =	ssyncadd.s32 $0xFFFFFE00  }
.LBB2_1:
0x2e: {  	s0 =	simm.s32 $0x80;
	s1 =	simm.s32 $0x0  }
.LBB2_2:
0x2f: {  	p1 =	sne.s32 s0, $0x3F80;
	[tilespmem:s1+$0x3800] =	vst v0;
	s7 =	smov.u32 s0;
	s0 =	sadd.s32 $0x80, s0  }
.Ltmp2:
0x30: {  	[tilespmem:s1+$0x3810] =	vst v0;
	(pc) =	sbr.rel @p1 .LBB2_2-.Ltmp2, $2  }
0x31: {  	_ =	sdelay $0x2  }
0x32: {  	s1 =	sshra.s32 s7, $0x2  }
0x33: {  	[tilespmem:s1+$0x3800] =	vst v0  }
0x34: {  	[tilespmem:s1+$0x3810] =	vst v0  }
0x35: {  	[spmem:s9] =	stream.linear.scatter [tilespmem:s25], [sflag:$0x2], $0x1000, $0x38;
	[tilespmem:$0xA800] =	vst v63  }
0x36: {  	_ =	swait.ge [sflag:s26], $0x1000  }
0x37: {  	[sflag:s26] =	ssyncset.done $0x0  }
0x38: {  	[sflag:s26] =	ssyncadd.s32 $0xFFFFF000  }
0x39: {  	[spmem:s10] =	stream.linear.scatter [tilespmem:s25], [sflag:$0x2], $0x1000, $0x38;
	[tilespmem:$0xA800] =	vst v63  }
0x3a: {  	_ =	swait.ge [sflag:s26], $0x1000  }
0x3b: {  	[sflag:s26] =	ssyncset.done $0x0  }
0x3c: {  	[sflag:s26] =	ssyncadd.s32 $0xFFFFF000  }
0x3d: {  	[spmem:s11] =	stream.linear.scatter [tilespmem:s25], [sflag:$0x2], $0x1000, $0x38;
	[tilespmem:$0xA800] =	vst v63  }
0x3e: {  	_ =	swait.ge [sflag:s26], $0x1000  }
0x3f: {  	[sflag:s26] =	ssyncset.done $0x0  }
0x40: {  	[sflag:s26] =	ssyncadd.s32 $0xFFFFF000  }
0x41: {  	[spmem:s12] =	stream.linear.scatter [tilespmem:s25], [sflag:$0x2], $0x1000, $0x38;
	[tilespmem:$0xA800] =	vst v63  }
0x42: {  	_ =	swait.ge [sflag:s26], $0x1000  }
0x43: {  	[sflag:s26] =	ssyncset.done $0x0  }
0x44: {  	[sflag:s26] =	ssyncadd.s32 $0xFFFFF000  }
0x45: {  	[spmem:s13] =	stream.linear.scatter [tilespmem:s25], [sflag:$0x2], $0x1000, $0x38;
	[tilespmem:$0xA800] =	vst v63  }
0x46: {  	_ =	swait.ge [sflag:s26], $0x1000  }
0x47: {  	[sflag:s26] =	ssyncset.done $0x0  }
0x48: {  	[sflag:s26] =	ssyncadd.s32 $0xFFFFF000  }
0x49: {  	[spmem:s14] =	stream.linear.scatter [tilespmem:s25], [sflag:$0x2], $0x1000, $0x38;
	[tilespmem:$0xA800] =	vst v63  }
0x4a: {  	_ =	swait.ge [sflag:s26], $0x1000  }
0x4b: {  	[sflag:s26] =	ssyncset.done $0x0  }
0x4c: {  	s0 =	simm.s32 $0x0;
	s17 =	rddreg [dreg:$0x5];
	[sflag:s26] =	ssyncadd.s32 $0xFFFFF000  }
0x4d: {  	[tilespmem:s0], [sflag:$0x2] =	stream.linear.gather [hbm4b:s17+s0], $0x1800, $0x38;
	[tilespmem:$0xA800] =	vst v63  }
0x4e: {  	_ =	swait.ge [sflag:s26], $0x1800  }
0x4f: {  	[sflag:s26] =	ssyncset.done $0x0  }
0x50: {  	s7 =	simm.s32 $0x1800;
	s28 =	rddreg [dreg:$0x6];
	[sflag:s26] =	ssyncadd.s32 $0xFFFFE800  }
0x51: {  	[tilespmem:s7], [sflag:$0x2] =	stream.linear.gather [hbm4b:s28+s0], $0x1800, $0x38;
	[tilespmem:$0xA800] =	vst v63  }
.Ltmp3:
0x52: {  	_ =	swait.ge [sflag:s26], $0x1800;
	(pc) =	sbr.rel @p0 .LBB2_8-.Ltmp3, $4  }
0x53: {  	[sflag:s26] =	ssyncset.done $0x0  }
0x54: {  	[sflag:s26] =	ssyncadd.s32 $0xFFFFE800  }
0x55: {  	[bflag:$0x0] =	sbarrier.arrive $0xFFFF  }
0x56: {  	s8 =	simm.s32 $0x0;
	s7 =	simm.s32 $0x0  }
.LBB2_4:
0x57: {  	s8 =	sshll.u32 s7, $0x7;
	s1 =	sadd.s32 s15, s7  }
0x58: {  	[tilespmem:s25], [sflag:$0x1] =	stream.indirect.gather [hbm4b:s4+s29], $0x20, s8, s29, $0xb8;
	[tilespmem:$0xA800] =	vst v63  }
0x59: {  	s1 =	sshll.u32 s1, $0x8  }
0x5a: {  	s1 =	sadd.s32 s6, s1  }
0x5b: {  	[tilespmem:s30], [sflag:$0x2] =	stream.linear.gather [hbm4b:s1+s0], $0x800, $0x38;
	[tilespmem:$0xA800] =	vst v63  }
0x5c: {  	_ =	swait.ge [sflag:s26], $0x800  }
0x5d: {  	[sflag:s26] =	ssyncset.done $0x0  }
0x5e: {  	[sflag:s26] =	ssyncadd.s32 $0xFFFFF800  }
0x5f: {  	_ =	swait.ge [sflag:s31], $0x1000  }
0x60: {  	[sflag:s31] =	ssyncset.done $0x0  }
0x61: {  	s1 =	simm.s32 $0x3810;
	[sflag:s31] =	ssyncadd.s32 $0xFFFFF000  }
0x62: {  	s16 =	simm.s32 $0x0;
	v1 =	vld [tilespmem:s1+$0xFFFFFFF0]  }
0x63: {  	v3 =	vld [tilespmem:s16+$0x3000]  }
0x64: {  	v4 =	vld [tilespmem:s1+$0x0];
	_ =	sdelay $0x4  }
0x65: {  	s28 =	simm.s32 $0x40;
	s16 =	simm.s32 $0x3810;
	v2 =	vmul.f32 v1, v3;
	v1 =	vmul.f32 v4, v3  }
.LBB2_5:
0x66: {  	p1 =	sne.s32 s28, $0x1FC0  }
0x67: {  	[tilespmem:s1+$0xFFFFFFF0] =	vst v2;
	s16 =	sadd.s32 $0x20, s16;
	s17 =	smov.u32 s28;
	s28 =	sadd.s32 $0x40, s28  }
0x68: {  	s17 =	sshra.s32 s17, $0x2;
	v2 =	vld [tilespmem:s16+$0xFFFFFFF0];
	[tilespmem:s1+$0x0] =	vst v1;
	s1 =	smov.u32 s16  }
0x69: {  	v1 =	vld [tilespmem:s17+$0x3000]  }
0x6a: {  	v3 =	vld [tilespmem:s16+$0x0]  }
.Ltmp4:
0x6b: {  	(pc) =	sbr.rel @p1 .LBB2_5-.Ltmp4, $3  }
0x6c: {  	_ =	sdelay $0x1  }
0x6d: {  	v2 =	vmul.f32 v2, v1  }
0x6e: {  	v1 =	vmul.f32 v3, v1  }
0x6f: {  	s7 =	sadd.s32 $0x1, s7  }
0x70: {  	[tilespmem:s1+$0xFFFFFFF0] =	vst v2;
	p1 =	seq.s32 s7, $0x30  }
.Ltmp5:
0x71: {  	s28 =	sadd.s32 $0x1800, s8;
	[tilespmem:s1+$0x0] =	vst v1;
	(pc) =	sbr.rel @!p1 .LBB2_4-.Ltmp5, $4  }
0x72: {  	[spmem:s2] =	stream.indirect.scatter.add.f32 [tilespmem:s25], [sflag:$0x2], $0x20, s28, s29, $0xb8;
	[tilespmem:$0xA800] =	vst v63  }
0x73: {  	_ =	swait.ge [sflag:s26], $0x1000  }
0x74: {  	[sflag:s26] =	ssyncset.done $0x0  }
0x75: {  	[sflag:s26] =	ssyncadd.s32 $0xFFFFF000  }
.Ltmp6:
0x76: {  	(pc) =	sbr.rel .LBB2_12-.Ltmp6, $2  }
0x77: {  	_ =	sdelay $0x2  }
0x78: {  	s0 =	rddreg [dreg:$0x3]  }
.LBB2_8:
0x79: {  	s7 =	sshll.u32 s8, $0x7;
	s1 =	sadd.s32 s15, s8  }
0x7a: {  	[tilespmem:s25], [sflag:$0x1] =	stream.indirect.gather [hbm4b:s5+s29], $0x20, s7, s29, $0xb8;
	[tilespmem:$0xA800] =	vst v63  }
0x7b: {  	s1 =	sshll.u32 s1, $0x8  }
0x7c: {  	s1 =	sadd.s32 s6, s1  }
0x7d: {  	[tilespmem:s30], [sflag:$0x2] =	stream.linear.gather [hbm4b:s1+s0], $0x800, $0x38;
	[tilespmem:$0xA800] =	vst v63  }
0x7e: {  	_ =	swait.ge [sflag:s26], $0x800  }
0x7f: {  	[sflag:s26] =	ssyncset.done $0x0  }
0x80: {  	[sflag:s26] =	ssyncadd.s32 $0xFFFFF800  }
0x81: {  	_ =	swait.ge [sflag:s31], $0x1000  }
0x82: {  	[sflag:s31] =	ssyncset.done $0x0  }
0x83: {  	s1 =	simm.s32 $0x3810;
	[sflag:s31] =	ssyncadd.s32 $0xFFFFF000  }
0x84: {  	s16 =	simm.s32 $0x0;
	v1 =	vld [tilespmem:s1+$0xFFFFFFF0]  }
0x85: {  	v3 =	vld [tilespmem:s16+$0x3000]  }
0x86: {  	v4 =	vld [tilespmem:s1+$0x0];
	_ =	sdelay $0x4  }
0x87: {  	s28 =	simm.s32 $0x40;
	s16 =	simm.s32 $0x3810;
	v2 =	vmul.f32 v1, v3;
	v1 =	vmul.f32 v4, v3  }
.LBB2_9:
0x88: {  	p1 =	sne.s32 s28, $0x1FC0  }
0x89: {  	[tilespmem:s1+$0xFFFFFFF0] =	vst v2;
	s16 =	sadd.s32 $0x20, s16;
	s17 =	smov.u32 s28;
	s28 =	sadd.s32 $0x40, s28  }
0x8a: {  	s17 =	sshra.s32 s17, $0x2;
	v2 =	vld [tilespmem:s16+$0xFFFFFFF0];
	[tilespmem:s1+$0x0] =	vst v1;
	s1 =	smov.u32 s16  }
0x8b: {  	v1 =	vld [tilespmem:s17+$0x3000]  }
0x8c: {  	v3 =	vld [tilespmem:s16+$0x0]  }
.Ltmp7:
0x8d: {  	(pc) =	sbr.rel @p1 .LBB2_9-.Ltmp7, $3  }
0x8e: {  	_ =	sdelay $0x1  }
0x8f: {  	v2 =	vmul.f32 v2, v1  }
0x90: {  	v1 =	vmul.f32 v3, v1  }
0x91: {  	s8 =	sadd.s32 $0x1, s8  }
0x92: {  	[tilespmem:s1+$0xFFFFFFF0] =	vst v2;
	p1 =	sne.s32 s8, $0x30  }
.Ltmp8:
0x93: {  	s28 =	sadd.s32 $0x1800, s7;
	[tilespmem:s1+$0x0] =	vst v1;
	(pc) =	sbr.rel @p1 .LBB2_8-.Ltmp8, $4  }
0x94: {  	[spmem:s2] =	stream.indirect.scatter.add.f32 [tilespmem:s25], [sflag:$0x2], $0x20, s28, s29, $0xb8;
	[tilespmem:$0xA800] =	vst v63  }
0x95: {  	_ =	swait.ge [sflag:s26], $0x1000  }
0x96: {  	[sflag:s26] =	ssyncset.done $0x0  }
0x97: {  	[sflag:s26] =	ssyncadd.s32 $0xFFFFF000  }
.Ltmp9:
0x98: {  	(pc) =	sbr.rel .LBB2_12-.Ltmp9, $2  }
0x99: {  	_ =	sdelay $0x2  }
0x9a: {  	s0 =	rddreg [dreg:$0x4]  }
.LBB2_13:
0x9b: {  	_ =	sfence.sel $0x180000  }
0x9c: {  	[bflag:$0x0] =	sbarrier.arrive $0xFFFF  }
0x9d: {  	_ =	strace $0x9000004A  }
0x9e: {  	s0 =	stileid.u32;
	[bflag:$0x2] =	sbarrier.arrive $0xFFFF  }
0x9f: {  	p0 =	sne.s32 s0, $0x0;
	s0 =	rddreg [dreg:$0x2]  }
0xa0: {  	s0 =	sadd.s32 @!p0 $0x100000, s0  }
0xa1: {  	[sflag:s0] =	ssyncadd.tile.s32 @!p0 $0x1;
	_ =	shalt  }
.Lfunc_end2:
_tile_overlayer_lowered:
.L_overlay_start_2:
0xa2: {  	(tag) =	ssettag $0x2  }
0xa3: {  	s0 =	rddreg [dreg:$0x0];
	s2 =	stileid.u32  }
0xa4: {  	s1 =	rddreg [dreg:$0x1];
	p0 =	sne.s32 s2, $0x0  }
0xa5: {  	s3 =	rddreg [dreg:$0x2];
	[bflag:$0x3] =	sbarrier.arrive $0xFFFF;
	s2 =	simm.s32 @!p0 $0x1C02  }
0xa6: {  	[timem:s3], [sflag:s2] =	dma.local @!p0 [hbm:s0], s1  }
0xa7: {  	s0 =	simm.s32 @!p0 $0x2  }
0xa8: {  	_ =	swait.ge @!p0 [sflag:s0], s1  }
0xa9: {  	s1 =	ssub.s32 @!p0 $0x0, s1;
	[sflag:s0] =	ssyncset.done @!p0 $0x0  }
0xaa: {  	[sflag:s0] =	ssyncadd.s32 @!p0 s1  }
0xab: {  	[bflag:$0x3] =	sbarrier.arrive $0xFFFF  }
0xac: {  	_ =	shalt  }

// kernel: kernel.8.cloned.1.call-start
scs
__scs_entry_jumppad:
0x0: {  	(pc) =	sbr.rel $0x88, $3  }
0x1: {  	(tag) =	ssettag $0x0;
	lr =	simm.s32 $0x1  }
0x2: {  	[smem:$0x3F8C] =	sst lr;
	_ =	strace $0xD0000000  }
0x3: {  	_ = 	snop  }
0x4: {  	_ = 	snop  }
0x5: {  	_ = 	snop  }
0x6: {  	_ = 	snop  }
0x7: {  	_ = 	snop  }
__scs_overlays_trampoline_lowered:
0x8: {  	[smem:$0x3F9B] =	sst s0  }
0x9: {  	[smem:$0x3F9C] =	sst s1  }
0xa: {  	[smem:$0x3F9D] =	sst s2  }
0xb: {  	[smem:$0x3F9E] =	sst s3  }
0xc: {  	[smem:$0x3F9F] =	sst s4  }
0xd: {  	[smem:$0x3FA0] =	sst s5  }
0xe: {  	[smem:$0x3FA1] =	sst s6  }
0xf: {  	[smem:$0x3FA2] =	sst s7  }
0x10: {  	[smem:$0x3FA3] =	sst s8  }
0x11: {  	[smem:$0x3FA4] =	sst s9;
	s0 =	simm.s32 @!p0 $0x0  }
0x12: {  	s1 =	sld [smem:$0x3F8A];
	s0 =	simm.s32 @p0 $0x1  }
0x13: {  	[smem:$0x3FA5] =	sst s0;
	s0 =	simm.s32 @!p1 $0x0  }
0x14: {  	s2 =	sld [smem:$0x3F89];
	s0 =	simm.s32 @p1 $0x1  }
0x15: {  	[smem:$0x3FA6] =	sst s0;
	s0 =	simm.s32 @!p2 $0x0  }
0x16: {  	s3 =	sld [smem:$0x3FDB];
	s0 =	simm.s32 @p2 $0x1  }
0x17: {  	s4 =	simm.s32 $0x1BF5;
	[smem:$0x3FA8] =	sst s0  }
0x18: {  	s0 =	sld [smem:$0x3F8B];
	_ =	swait.ge [sflag:s4], $0x0  }
0x19: {  	s7 =	sld [smem:$0x3F8C]  }
0x1a: {  	s8 =	sadd.s32 $0xFFFFE003, lr  }
0x1b: {  	s9 =	sadd.s32 $0xFFFFFEF7, lr;
	s5 =	simm.s32 $0xFFFFFFFF;
	p2 =	slt.u32 s8, $0xFFFFF086  }
0x1c: {  	p1 =	slt.u32 s9, $0xF7A;
	s5 =	simm.s32 @!p2 $0x0  }
0x1d: {  	s5 =	simm.s32 @p1 $0x1;
	p0 =	seq.s32 s7, s2  }
0x1e: {  	s7 =	smul.u32 @!p0 $0xF7A, s2;
	p2 =	seq.s32 @!p0 s5, $0x0  }
0x1f: {  	s9 =	smul.u32 $0xF7A, s1;
	s8 =	simm.s32 @!p0 $0x1BF5;
	p2 =	por !p2, p0  }
0x20: {  	[sflag:s8] =	ssyncset.s32 @!p0 $0xFFFFF086;
	s6 =	sadd.s32 @!p0 s3, s7;
	s7 =	simm.s32 @!p0 $0x108  }
0x21: {  	s3 =	sadd.s32 s3, s9;
	s6 =	sadd.s32 @!p0 $0x88, s6;
	s7 =	simm.s32 @p2 $0x1082  }
0x22: {  	[simem:s7], [sflag:s8] =	dma.local @!p0 [hbm:s6], $0xF7A  }
0x23: {  	s9 =	sor.u32 $0xD0000000, s2;
	s6 =	simm.s32 $0x108;
	_ =	swait.ge @!p0 [sflag:s8], $0x0  }
0x24: {  	s3 =	sadd.s32 $0x88, s3;
	s6 =	simm.s32 @!p1 $0x1082;
	[sflag:s4] =	ssyncset.s32 $0xFFFFF086  }
0x25: {  	[simem:s6], [sflag:s4] =	dma.local [hbm:s3], $0xF7A  }
0x26: {  	[smem:$0x3F8C] =	sst s1;
	(tag) =	ssettag s2;
	_ =	strace s9  }
0x27: {  	s1 =	sld [smem:$0x3F9C]  }
0x28: {  	s2 =	sld [smem:$0x3F9D]  }
0x29: {  	s4 =	sld [smem:$0x3F9F]  }
0x2a: {  	p0 =	seq.s32 s5, $0x0;
	s5 =	sld [smem:$0x3FA0]  }
0x2b: {  	s6 =	sld [smem:$0x3FA1]  }
0x2c: {  	s7 =	sld [smem:$0x3FA2]  }
0x2d: {  	s3 =	simm.s32 $0x108;
	s8 =	sld [smem:$0x3FA3]  }
0x2e: {  	s3 =	simm.s32 @!p0 $0x1082;
	s9 =	sld [smem:$0x3FA4]  }
0x2f: {  	lr =	sadd.s32 s0, s3;
	s0 =	sld [smem:$0x3F9B]  }
0x30: {  	s3 =	sld [smem:$0x3F9E]  }
0x31: {  	[smem:$0x3FA7] =	sst s10  }
0x32: {  	s10 =	sld [smem:$0x3FA5];
	_ =	sdelay $0x3  }
0x33: {  	p0 =	seq.s32 s10, $0x1;
	s10 =	sld [smem:$0x3FA7];
	_ =	sdelay $0x3  }
0x34: {  	[smem:$0x3FA7] =	sst s10  }
0x35: {  	s10 =	sld [smem:$0x3FA6];
	_ =	sdelay $0x3  }
0x36: {  	p1 =	seq.s32 s10, $0x1;
	s10 =	sld [smem:$0x3FA7];
	_ =	sdelay $0x3  }
0x37: {  	[smem:$0x3FA7] =	sst s10  }
0x38: {  	s10 =	sld [smem:$0x3FA8]  }
0x39: {  	_ = 	snop;
	(pc) =	sbr.ind lr, $3  }
0x3a: {  	_ = 	snop  }
0x3b: {  	_ = 	snop  }
0x3c: {  	p2 =	seq.s32 s10, $0x1;
	s10 =	sld [smem:$0x3FA7]  }
0x3d: {  	_ =	shalt  }
0x3e: {  	_ =	shalt  }
0x3f: {  	_ =	shalt  }
0x40: {  	_ =	shalt  }
0x41: {  	_ =	shalt  }
0x42: {  	_ =	shalt  }
0x43: {  	_ =	shalt  }
0x44: {  	_ =	shalt  }
0x45: {  	_ =	shalt  }
0x46: {  	_ =	shalt  }
0x47: {  	_ =	shalt  }
0x48: {  	_ =	shalt  }
0x49: {  	_ =	shalt  }
0x4a: {  	_ =	shalt  }
0x4b: {  	_ =	shalt  }
0x4c: {  	_ =	shalt  }
0x4d: {  	_ =	shalt  }
0x4e: {  	_ =	shalt  }
0x4f: {  	_ =	shalt  }
0x50: {  	_ =	shalt  }
0x51: {  	_ =	shalt  }
0x52: {  	_ =	shalt  }
0x53: {  	_ =	shalt  }
0x54: {  	_ =	shalt  }
0x55: {  	_ =	shalt  }
0x56: {  	_ =	shalt  }
0x57: {  	_ =	shalt  }
0x58: {  	_ =	shalt  }
0x59: {  	_ =	shalt  }
0x5a: {  	_ =	shalt  }
0x5b: {  	_ =	shalt  }
0x5c: {  	_ =	shalt  }
0x5d: {  	_ =	shalt  }
0x5e: {  	_ =	shalt  }
0x5f: {  	_ =	shalt  }
0x60: {  	_ =	shalt  }
0x61: {  	_ =	shalt  }
0x62: {  	_ =	shalt  }
0x63: {  	_ =	shalt  }
0x64: {  	_ =	shalt  }
0x65: {  	_ =	shalt  }
0x66: {  	_ =	shalt  }
0x67: {  	_ =	shalt  }
0x68: {  	_ =	shalt  }
0x69: {  	_ =	shalt  }
0x6a: {  	_ =	shalt  }
0x6b: {  	_ =	shalt  }
0x6c: {  	_ =	shalt  }
0x6d: {  	_ =	shalt  }
0x6e: {  	_ =	shalt  }
0x6f: {  	_ =	shalt  }
0x70: {  	_ =	shalt  }
0x71: {  	_ =	shalt  }
0x72: {  	_ =	shalt  }
0x73: {  	_ =	shalt  }
0x74: {  	_ =	shalt  }
0x75: {  	_ =	shalt  }
0x76: {  	_ =	shalt  }
0x77: {  	_ =	shalt  }
0x78: {  	_ =	shalt  }
0x79: {  	_ =	shalt  }
0x7a: {  	_ =	shalt  }
0x7b: {  	_ =	shalt  }
0x7c: {  	_ =	shalt  }
0x7d: {  	_ =	shalt  }
0x7e: {  	_ =	shalt  }
0x7f: {  	_ =	shalt  }
0x80: {  	_ =	shalt  }
0x81: {  	_ =	shalt  }
0x82: {  	_ =	shalt  }
0x83: {  	_ =	shalt  }
0x84: {  	_ =	shalt  }
0x85: {  	_ =	shalt  }
0x86: {  	_ =	shalt  }
0x87: {  	_ =	shalt  }
.Lfunc_end0:
.L_simem_size_0:
called_computation_lowered:
.L_overlay_start_0:
0x88: {  	s2 =	sld [smem:$0x3FD9]  }
0x89: {  	s3 =	sld [smem:$0x3FFE];
	_ =	sdelay $0x1  }
0x8a: {  	s1 =	srdreg.scid  }
0x8b: {  	s0 =	sand.u32 $0x1, s1  }
0x8c: {  	s16 =	sshll.u32 s0, $0xA;
	s2 =	sadd.s32 s3, s2  }
0x8d: {  	s2 =	sadd.s32 s2, s16  }
0x8e: {  	[smem:$0x3FB3] =	sst s2  }
0x8f: {  	_ = 	snop  }
0x90: {  	(tm) =	ssettm $0x1  }
0x91: {  	s17 =	sld [smem:$0x3FFB];
	_ =	sdelay $0x3  }
0x92: {  	_ =	strace s17  }
0x93: {  	s2 =	sld [smem:$0x3FFC];
	_ =	sdelay $0x3  }
0x94: {  	_ =	strace s2  }
0x95: {  	s2 =	sld [smem:$0x3FFD];
	_ =	sdelay $0x3  }
0x96: {  	_ =	strace s2  }
0x97: {  	_ =	strace $0x8FFFFFFF  }
0x98: {  	s18 =	sld [smem:$0x3FDB];
	_ =	sdelay $0x1  }
0x99: {  	s19 =	simm.s32 $_scs_section_size  }
0x9a: {  	s4 =	simm.s32 $_size__tile_overlayer_lowered;
	s5 =	simm.s32 $_tile_overlayer_lowered  }
0x9b: {  	s22 =	simm.s32 $0x1BFF;
	s21 =	sshll.u32 s5, $0x1;
	s2 =	sadd.s32 s19, s18  }
0x9c: {  	s6 =	simm.s32 $0x0;
	s20 =	sshll.u32 s4, $0x1;
	s4 =	sadd.s32 s21, s2  }
0x9d: {  	[timem:s6], [sflag:s22] =	dma.local [hbm:s4], s20  }
0x9e: {  	_ =	swait.ge [sflag:s22], s20  }
0x9f: {  	s3 =	ssub.s32 $0x0, s20;
	[sflag:s22] =	ssyncset.done $0x0  }
0xa0: {  	[sflag:s22] =	ssyncadd.s32 s3;
	_ =	sdelay $0x1  }
0xa1: {  	s23 =	simm.s32 $0x1B8B  }
0xa2: {  	_ =	swait.ge [sflag:s23], $0x1  }
0xa3: {  	[sflag:s23] =	ssyncset.done $0x0  }
0xa4: {  	s25 =	simm.s32 $0x1B8E;
	s24 =	sld [smem:$0x3FFE];
	[sflag:s23] =	ssyncadd.s32 $0xFFFFFFFF  }
0xa5: {  	s26 =	simm.s32 $execute0_lowered;
	[smem:$0x3FD2] =	sst s25  }
0xa6: {  	s4 =	sshll.u32 s26, $0x1;
	_ =	strace $0x80000046;
	[dreg:$0x1] =	wrdreg $0xFFFFFFFF  }
0xa7: {  	s28 =	simm.s32 $_size_execute0_lowered;
	s2 =	sadd.s32 s2, s4;
	[dreg:$0x0] =	wrdreg $0x0  }
0xa8: {  	s4 =	sshll.u32 s28, $0x1;
	[dreg:$0x2] =	wrdreg s2  }
0xa9: {  	[dreg:$0x3] =	wrdreg s4  }
0xaa: {  	[dreg:$0x4] =	wrdreg $0xC0  }
0xab: {  	_ =	task [dreg:s6], $0x5FFFF  }
0xac: {  	[dreg:$0x1] =	wrdreg $0xFFFFFFFF  }
0xad: {  	[dreg:$0x0] =	wrdreg $0x60  }
0xae: {  	[dreg:$0x2] =	wrdreg s24  }
0xaf: {  	[dreg:$0x3] =	wrdreg $0x58000  }
0xb0: {  	[dreg:$0x4] =	wrdreg $0x9  }
0xb1: {  	_ =	task.clear_ibuf [dreg:s6], $0x5FFFF;
	_ =	strace $0x90000046  }
0xb2: {  	s29 =	simm.s32 $0x9;
	_ =	strace $0x80000048  }
0xb3: {  	_ =	swait.ge [sflag:s29], $0x1  }
0xb4: {  	[sflag:s29] =	ssyncadd.s32 $0xFFFFFFFF  }
0xb5: {  	_ =	strace $0x90000048  }
0xb6: {  	_ =	sfence  }
0xb7: {  	s30 =	sld [smem:$0x0];
	_ =	sdelay $0x2  }
0xb8: {  	s31 =	sshll.u32 s1, $0xD;
	s1 =	sshrl.u32 s1, $0x2  }
0xb9: {  	s3 =	sand.u32 $0x4000, s31;
	s1 =	sadd.s32 s1, s30  }
0xba: {  	s0 =	sor.u32 s3, s0;
	s1 =	sshll.u32 s1, $0x11  }
0xbb: {  	s0 =	sor.u32 s1, s0  }
0xbc: {  	s0 =	sadd.s32 $0x8F2B, s0  }
0xbd: {  	[sflag:s0] =	ssyncadd.remote.s32 $0x1  }
0xbe: {  	_ =	sfence.sel $0xFFFF  }
0xbf: {  	[dreg:$0x0] =	wrdreg $0xFFFFFFFF;
	(pc) =	sbr.abs _section_cstart, $3  }
0xc0: {  	[dreg:$0x1] =	wrdreg $0xFFFFFFFF  }
0xc1: {  	_ =	task.clear_ibuf [dreg:s6], $0x2FFFF;
	_ =	strace $0x9FFFFFFF  }
0xc2: {  	(tm) =	ssettm $0x7FFFFFFF  }
0xc3: {  	_ =	shalt  }
tec
execute0_lowered:
.L_overlay_start_1:
0x0: {  	(tag) =	ssettag $0x1  }
0x1: {  	s0 =	rddreg [dreg:$0x0]  }
0x2: {  	s2 =	rddreg [dreg:$0x1];
	s3 =	simm.s32 $0x0  }
0x3: {  	s15 =	stileid.u32;
	s6 =	srdreg.scid;
	s29 =	simm.s32 $0x80  }
0x4: {  	s30 =	simm.s32 $0x3000;
	s31 =	simm.s32 $0x1;
	[smem:$0x7FF] =	sst s3  }
0x5: {  	s1 =	smul.u32 $0x300, s15;
	s4 =	sadd.s32 $0x4C600, s0;
	s5 =	sadd.s32 $0x34600, s0  }
0x6: {  	s7 =	sand.u32 $0x1, s6;
	s16 =	smul.u32 $0xC000, s15;
	s6 =	sadd.s32 $0x1EA600, s0  }
0x7: {  	s9 =	sadd.s32 $0x82600, s0;
	s15 =	smul.u32 $0x30, s15;
	_ =	strace $0x80000047  }
0x8: {  	s8 =	ssub.s32 $0x2, s7;
	[dreg:$0x3] =	wrdreg s9;
	p0 =	sne.s32 s7, $0x0  }
0x9: {  	s1 =	sadd.s32 s1, s0;
	s25 =	sshrl.u32 s8, $0x1;
	s0 =	sadd.s32 $0x6A600, s0  }
0xa: {  	s28 =	sor.u32 $0x2000, s16;
	s9 =	sadd.s32 s16, s2;
	s20 =	sadd.s32 $0x4000, s16  }
0xb: {  	s21 =	sadd.s32 $0x6000, s16;
	s22 =	sadd.s32 $0x8000, s16;
	s23 =	sadd.s32 $0xA000, s16  }
0xc: {  	s18 =	sshrl.u32 s16, $0x3;
	[dreg:$0x4] =	wrdreg s0;
	s26 =	ssub.s32 s8, s25  }
0xd: {  	s10 =	sadd.s32 s28, s2;
	s11 =	sadd.s32 s20, s2;
	s12 =	sadd.s32 s21, s2  }
.Ltmp0:
0xe: {  	s13 =	sadd.s32 s22, s2;
	s14 =	sadd.s32 s23, s2;
	(pc) =	sbr.rel .LBB2_1-.Ltmp0, $4  }
0xf: {  	s17 =	sadd.s32 $0x67600, s1;
	s1 =	sadd.s32 $0x64600, s1;
	s19 =	sshrl.u32 s28, $0x3  }
0x10: {  	s20 =	sshrl.u32 s20, $0x3;
	s21 =	sshrl.u32 s21, $0x3;
	s22 =	sshrl.u32 s22, $0x3  }
0x11: {  	s23 =	sshrl.u32 s23, $0x3;
	s25 =	simm.s32 $0x3800;
	[dreg:$0x5] =	wrdreg s17  }
0x12: {  	v0 =	vimm.f32 $0.0e+00;
	[dreg:$0x6] =	wrdreg s1;
	s24 =	smax.u32 s26, $0x1;
	s26 =	simm.s32 $0x2  }
.LBB2_12:
0x13: {  	s7 =	stileid.u32  }
0x14: {  	s1 =	sadd.s32 s0, s18;
	s7 =	sshll.u32 s7, $0x6  }
0x15: {  	[bflag:$0x0] =	sbarrier.arrive $0xFFFF;
	s8 =	sshrl.u32 s9, $0x3;
	s7 =	sor.u32 $0x1C02, s7  }
0x16: {  	[hbm:s1], [sflag:s7] =	dma.local [spmem:s8], $0x400  }
0x17: {  	_ =	swait.ge [sflag:s26], $0x400  }
0x18: {  	[sflag:s26] =	ssyncset.done $0x0  }
0x19: {  	s17 =	sadd.s32 s0, s19;
	s28 =	sshrl.u32 s10, $0x3;
	[sflag:s26] =	ssyncadd.s32 $0xFFFFFC00  }
0x1a: {  	[hbm:s17], [sflag:s7] =	dma.local [spmem:s28], $0x400  }
0x1b: {  	_ =	swait.ge [sflag:s26], $0x400  }
0x1c: {  	[sflag:s26] =	ssyncset.done $0x0  }
0x1d: {  	s16 =	sshrl.u32 s11, $0x3;
	s8 =	sadd.s32 s0, s20;
	[sflag:s26] =	ssyncadd.s32 $0xFFFFFC00  }
0x1e: {  	[hbm:s8], [sflag:s7] =	dma.local [spmem:s16], $0x400  }
0x1f: {  	_ =	swait.ge [sflag:s26], $0x400  }
0x20: {  	[sflag:s26] =	ssyncset.done $0x0  }
0x21: {  	s17 =	sadd.s32 s0, s21;
	s28 =	sshrl.u32 s12, $0x3;
	[sflag:s26] =	ssyncadd.s32 $0xFFFFFC00  }
0x22: {  	[hbm:s17], [sflag:s7] =	dma.local [spmem:s28], $0x400  }
0x23: {  	_ =	swait.ge [sflag:s26], $0x400  }
0x24: {  	[sflag:s26] =	ssyncset.done $0x0  }
0x25: {  	s8 =	sadd.s32 s0, s22;
	s16 =	sshrl.u32 s13, $0x3;
	[sflag:s26] =	ssyncadd.s32 $0xFFFFFC00  }
0x26: {  	[hbm:s8], [sflag:s7] =	dma.local [spmem:s16], $0x400  }
0x27: {  	s3 =	sadd.s32 $0x1, s3;
	_ =	swait.ge [sflag:s26], $0x400  }
0x28: {  	p1 =	sne.s32 s3, s24;
	s17 =	sadd.s32 s0, s23;
	[sflag:s26] =	ssyncset.done $0x0  }
.Ltmp1:
0x29: {  	s28 =	sshrl.u32 s14, $0x3;
	[sflag:s26] =	ssyncadd.s32 $0xFFFFFC00;
	(pc) =	sbr.rel @!p1 .LBB2_13-.Ltmp1, $4  }
0x2a: {  	[hbm:s17], [sflag:s7] =	dma.local [spmem:s28], $0x400  }
0x2b: {  	_ =	swait.ge [sflag:s26], $0x400  }
0x2c: {  	[sflag:s26] =	ssyncset.done $0x0  }
0x2d: {  	[sflag:s26] =	ssyncadd.s32 $0xFFFFFC00  }
.LBB2_1:
0x2e: {  	s1 =	simm.s32 $0x100;
	s0 =	simm.s32 $0x0  }
.LBB2_2:
0x2f: {  	p1 =	sne.s32 s1, $0x7F00;
	[tilespmem:s0+$0x3830] =	vst v0;
	s7 =	smov.u32 s1;
	s1 =	sadd.s32 $0x100, s1  }
.Ltmp2:
0x30: {  	[tilespmem:s0+$0x3820] =	vst v0;
	(pc) =	sbr.rel @p1 .LBB2_2-.Ltmp2, $3  }
0x31: {  	[tilespmem:s0+$0x3800] =	vst v0  }
0x32: {  	[tilespmem:s0+$0x3810] =	vst v0;
	_ =	sdelay $0x1  }
0x33: {  	s0 =	sshra.s32 s7, $0x2  }
0x34: {  	[tilespmem:s0+$0x3830] =	vst v0  }
0x35: {  	[tilespmem:s0+$0x3820] =	vst v0  }
0x36: {  	[tilespmem:s0+$0x3800] =	vst v0  }
0x37: {  	[tilespmem:s0+$0x3810] =	vst v0  }
0x38: {  	[spmem:s9] =	stream.linear.scatter [tilespmem:s25], [sflag:$0x2], $0x2000, $0x38;
	[tilespmem:$0x11800] =	vst v63  }
0x39: {  	_ =	swait.ge [sflag:s26], $0x2000  }
0x3a: {  	[sflag:s26] =	ssyncset.done $0x0  }
0x3b: {  	[sflag:s26] =	ssyncadd.s32 $0xFFFFE000  }
0x3c: {  	[spmem:s10] =	stream.linear.scatter [tilespmem:s25], [sflag:$0x2], $0x2000, $0x38;
	[tilespmem:$0x11800] =	vst v63  }
0x3d: {  	_ =	swait.ge [sflag:s26], $0x2000  }
0x3e: {  	[sflag:s26] =	ssyncset.done $0x0  }
0x3f: {  	[sflag:s26] =	ssyncadd.s32 $0xFFFFE000  }
0x40: {  	[spmem:s11] =	stream.linear.scatter [tilespmem:s25], [sflag:$0x2], $0x2000, $0x38;
	[tilespmem:$0x11800] =	vst v63  }
0x41: {  	_ =	swait.ge [sflag:s26], $0x2000  }
0x42: {  	[sflag:s26] =	ssyncset.done $0x0  }
0x43: {  	[sflag:s26] =	ssyncadd.s32 $0xFFFFE000  }
0x44: {  	[spmem:s12] =	stream.linear.scatter [tilespmem:s25], [sflag:$0x2], $0x2000, $0x38;
	[tilespmem:$0x11800] =	vst v63  }
0x45: {  	_ =	swait.ge [sflag:s26], $0x2000  }
0x46: {  	[sflag:s26] =	ssyncset.done $0x0  }
0x47: {  	[sflag:s26] =	ssyncadd.s32 $0xFFFFE000  }
0x48: {  	[spmem:s13] =	stream.linear.scatter [tilespmem:s25], [sflag:$0x2], $0x2000, $0x38;
	[tilespmem:$0x11800] =	vst v63  }
0x49: {  	_ =	swait.ge [sflag:s26], $0x2000  }
0x4a: {  	[sflag:s26] =	ssyncset.done $0x0  }
0x4b: {  	[sflag:s26] =	ssyncadd.s32 $0xFFFFE000  }
0x4c: {  	[spmem:s14] =	stream.linear.scatter [tilespmem:s25], [sflag:$0x2], $0x2000, $0x38;
	[tilespmem:$0x11800] =	vst v63  }
0x4d: {  	_ =	swait.ge [sflag:s26], $0x2000  }
0x4e: {  	[sflag:s26] =	ssyncset.done $0x0  }
0x4f: {  	s0 =	simm.s32 $0x0;
	s1 =	rddreg [dreg:$0x5];
	[sflag:s26] =	ssyncadd.s32 $0xFFFFE000  }
0x50: {  	[tilespmem:s0], [sflag:$0x2] =	stream.linear.gather [hbm4b:s1+s0], $0x1800, $0x38;
	[tilespmem:$0x11800] =	vst v63  }
0x51: {  	_ =	swait.ge [sflag:s26], $0x1800  }
0x52: {  	[sflag:s26] =	ssyncset.done $0x0  }
0x53: {  	s7 =	simm.s32 $0x1800;
	s28 =	rddreg [dreg:$0x6];
	[sflag:s26] =	ssyncadd.s32 $0xFFFFE800  }
0x54: {  	[tilespmem:s7], [sflag:$0x2] =	stream.linear.gather [hbm4b:s28+s0], $0x1800, $0x38;
	[tilespmem:$0x11800] =	vst v63  }
.Ltmp3:
0x55: {  	_ =	swait.ge [sflag:s26], $0x1800;
	(pc) =	sbr.rel @p0 .LBB2_8-.Ltmp3, $4  }
0x56: {  	[sflag:s26] =	ssyncset.done $0x0  }
0x57: {  	[sflag:s26] =	ssyncadd.s32 $0xFFFFE800  }
0x58: {  	[bflag:$0x0] =	sbarrier.arrive $0xFFFF  }
0x59: {  	s8 =	simm.s32 $0x0;
	s7 =	simm.s32 $0x0  }
.LBB2_4:
0x5a: {  	s8 =	sshll.u32 s7, $0x7;
	s1 =	sadd.s32 s15, s7  }
0x5b: {  	[tilespmem:s25], [sflag:$0x1] =	stream.indirect.gather [hbm4b:s4+s29], $0x40, s8, s29, $0xb8;
	[tilespmem:$0x11800] =	vst v63  }
0x5c: {  	s1 =	sshll.u32 s1, $0x8  }
0x5d: {  	s1 =	sadd.s32 s6, s1  }
0x5e: {  	[tilespmem:s30], [sflag:$0x2] =	stream.linear.gather [hbm4b:s1+s0], $0x800, $0x38;
	[tilespmem:$0x11800] =	vst v63  }
0x5f: {  	_ =	swait.ge [sflag:s26], $0x800  }
0x60: {  	[sflag:s26] =	ssyncset.done $0x0  }
0x61: {  	[sflag:s26] =	ssyncadd.s32 $0xFFFFF800  }
0x62: {  	_ =	swait.ge [sflag:s31], $0x2000  }
0x63: {  	[sflag:s31] =	ssyncset.done $0x0  }
0x64: {  	s1 =	simm.s32 $0x3820;
	[sflag:s31] =	ssyncadd.s32 $0xFFFFE000  }
0x65: {  	v1 =	vld [tilespmem:s1+$0xFFFFFFF0]  }
0x66: {  	v3 =	vld [tilespmem:s1+$0x10]  }
0x67: {  	s16 =	simm.s32 $0x0;
	v2 =	vld [tilespmem:s1+$0xFFFFFFE0]  }
0x68: {  	v5 =	vld [tilespmem:s16+$0x3000]  }
0x69: {  	v6 =	vld [tilespmem:s1+$0x0];
	_ =	sdelay $0x3  }
0x6a: {  	v2 =	vmul.f32 v2, v5;
	v4 =	vmul.f32 v3, v5  }
0x6b: {  	s28 =	simm.s32 $0x40;
	s16 =	simm.s32 $0x3820;
	v3 =	vmul.f32 v1, v5;
	v1 =	vmul.f32 v6, v5  }
.LBB2_5:
0x6c: {  	p1 =	sne.s32 s28, $0x1FC0  }
0x6d: {  	[tilespmem:s1+$0x10] =	vst v4;
	s16 =	sadd.s32 $0x40, s16;
	s17 =	smov.u32 s28;
	s28 =	sadd.s32 $0x40, s28  }
0x6e: {  	v5 =	vld [tilespmem:s16+$0xFFFFFFF0];
	[tilespmem:s1+$0xFFFFFFE0] =	vst v2  }
0x6f: {  	v4 =	vld [tilespmem:s16+$0x10];
	[tilespmem:s1+$0xFFFFFFF0] =	vst v3  }
0x70: {  	s17 =	sshra.s32 s17, $0x2;
	v2 =	vld [tilespmem:s16+$0xFFFFFFE0];
	[tilespmem:s1+$0x0] =	vst v1;
	s1 =	smov.u32 s16  }
0x71: {  	v1 =	vld [tilespmem:s17+$0x3000]  }
0x72: {  	v6 =	vld [tilespmem:s16+$0x0]  }
.Ltmp4:
0x73: {  	(pc) =	sbr.rel @p1 .LBB2_5-.Ltmp4, $3  }
0x74: {  	_ =	sdelay $0x1  }
0x75: {  	v2 =	vmul.f32 v2, v1;
	v4 =	vmul.f32 v4, v1  }
0x76: {  	v3 =	vmul.f32 v5, v1;
	v1 =	vmul.f32 v6, v1  }
0x77: {  	[tilespmem:s1+$0x10] =	vst v4  }
0x78: {  	[tilespmem:s1+$0xFFFFFFE0] =	vst v2;
	s7 =	sadd.s32 $0x1, s7  }
0x79: {  	[tilespmem:s1+$0xFFFFFFF0] =	vst v3;
	p1 =	seq.s32 s7, $0x30  }
.Ltmp5:
0x7a: {  	s28 =	sadd.s32 $0x1800, s8;
	[tilespmem:s1+$0x0] =	vst v1;
	(pc) =	sbr.rel @!p1 .LBB2_4-.Ltmp5, $4  }
0x7b: {  	[spmem:s2] =	stream.indirect.scatter.add.f32 [tilespmem:s25], [sflag:$0x2], $0x40, s28, s29, $0xb8;
	[tilespmem:$0x11800] =	vst v63  }
0x7c: {  	_ =	swait.ge [sflag:s26], $0x2000  }
0x7d: {  	[sflag:s26] =	ssyncset.done $0x0  }
0x7e: {  	[sflag:s26] =	ssyncadd.s32 $0xFFFFE000  }
.Ltmp6:
0x7f: {  	(pc) =	sbr.rel .LBB2_12-.Ltmp6, $2  }
0x80: {  	_ =	sdelay $0x2  }
0x81: {  	s0 =	rddreg [dreg:$0x3]  }
.LBB2_8:
0x82: {  	s7 =	sshll.u32 s8, $0x7;
	s1 =	sadd.s32 s15, s8  }
0x83: {  	[tilespmem:s25], [sflag:$0x1] =	stream.indirect.gather [hbm4b:s5+s29], $0x40, s7, s29, $0xb8;
	[tilespmem:$0x11800] =	vst v63  }
0x84: {  	s1 =	sshll.u32 s1, $0x8  }
0x85: {  	s1 =	sadd.s32 s6, s1  }
0x86: {  	[tilespmem:s30], [sflag:$0x2] =	stream.linear.gather [hbm4b:s1+s0], $0x800, $0x38;
	[tilespmem:$0x11800] =	vst v63  }
0x87: {  	_ =	swait.ge [sflag:s26], $0x800  }
0x88: {  	[sflag:s26] =	ssyncset.done $0x0  }
0x89: {  	[sflag:s26] =	ssyncadd.s32 $0xFFFFF800  }
0x8a: {  	_ =	swait.ge [sflag:s31], $0x2000  }
0x8b: {  	[sflag:s31] =	ssyncset.done $0x0  }
0x8c: {  	s1 =	simm.s32 $0x3820;
	[sflag:s31] =	ssyncadd.s32 $0xFFFFE000  }
0x8d: {  	v1 =	vld [tilespmem:s1+$0xFFFFFFF0]  }
0x8e: {  	v3 =	vld [tilespmem:s1+$0x10]  }
0x8f: {  	s16 =	simm.s32 $0x0;
	v2 =	vld [tilespmem:s1+$0xFFFFFFE0]  }
0x90: {  	v5 =	vld [tilespmem:s16+$0x3000]  }
0x91: {  	v6 =	vld [tilespmem:s1+$0x0];
	_ =	sdelay $0x3  }
0x92: {  	v2 =	vmul.f32 v2, v5;
	v4 =	vmul.f32 v3, v5  }
0x93: {  	s28 =	simm.s32 $0x40;
	s16 =	simm.s32 $0x3820;
	v3 =	vmul.f32 v1, v5;
	v1 =	vmul.f32 v6, v5  }
.LBB2_9:
0x94: {  	p1 =	sne.s32 s28, $0x1FC0  }
0x95: {  	[tilespmem:s1+$0x10] =	vst v4;
	s16 =	sadd.s32 $0x40, s16;
	s17 =	smov.u32 s28;
	s28 =	sadd.s32 $0x40, s28  }
0x96: {  	v5 =	vld [tilespmem:s16+$0xFFFFFFF0];
	[tilespmem:s1+$0xFFFFFFE0] =	vst v2  }
0x97: {  	v4 =	vld [tilespmem:s16+$0x10];
	[tilespmem:s1+$0xFFFFFFF0] =	vst v3  }
0x98: {  	s17 =	sshra.s32 s17, $0x2;
	v2 =	vld [tilespmem:s16+$0xFFFFFFE0];
	[tilespmem:s1+$0x0] =	vst v1;
	s1 =	smov.u32 s16  }
0x99: {  	v1 =	vld [tilespmem:s17+$0x3000]  }
0x9a: {  	v6 =	vld [tilespmem:s16+$0x0]  }
.Ltmp7:
0x9b: {  	(pc) =	sbr.rel @p1 .LBB2_9-.Ltmp7, $3  }
0x9c: {  	_ =	sdelay $0x1  }
0x9d: {  	v2 =	vmul.f32 v2, v1;
	v4 =	vmul.f32 v4, v1  }
0x9e: {  	v3 =	vmul.f32 v5, v1;
	v1 =	vmul.f32 v6, v1  }
0x9f: {  	[tilespmem:s1+$0x10] =	vst v4  }
0xa0: {  	[tilespmem:s1+$0xFFFFFFE0] =	vst v2;
	s8 =	sadd.s32 $0x1, s8  }
0xa1: {  	[tilespmem:s1+$0xFFFFFFF0] =	vst v3;
	p1 =	sne.s32 s8, $0x30  }
.Ltmp8:
0xa2: {  	s28 =	sadd.s32 $0x1800, s7;
	[tilespmem:s1+$0x0] =	vst v1;
	(pc) =	sbr.rel @p1 .LBB2_8-.Ltmp8, $4  }
0xa3: {  	[spmem:s2] =	stream.indirect.scatter.add.f32 [tilespmem:s25], [sflag:$0x2], $0x40, s28, s29, $0xb8;
	[tilespmem:$0x11800] =	vst v63  }
0xa4: {  	_ =	swait.ge [sflag:s26], $0x2000  }
0xa5: {  	[sflag:s26] =	ssyncset.done $0x0  }
0xa6: {  	[sflag:s26] =	ssyncadd.s32 $0xFFFFE000  }
.Ltmp9:
0xa7: {  	(pc) =	sbr.rel .LBB2_12-.Ltmp9, $2  }
0xa8: {  	_ =	sdelay $0x2  }
0xa9: {  	s0 =	rddreg [dreg:$0x4]  }
.LBB2_13:
0xaa: {  	_ =	sfence.sel $0x180000  }
0xab: {  	[bflag:$0x0] =	sbarrier.arrive $0xFFFF  }
0xac: {  	_ =	strace $0x90000047  }
0xad: {  	s0 =	stileid.u32;
	[bflag:$0x2] =	sbarrier.arrive $0xFFFF  }
0xae: {  	p0 =	sne.s32 s0, $0x0;
	s0 =	rddreg [dreg:$0x2]  }
0xaf: {  	s0 =	sadd.s32 @!p0 $0x100000, s0  }
0xb0: {  	[sflag:s0] =	ssyncadd.tile.s32 @!p0 $0x1;
	_ =	shalt  }
.Lfunc_end2:
_tile_overlayer_lowered:
.L_overlay_start_2:
0xb1: {  	(tag) =	ssettag $0x2  }
0xb2: {  	s0 =	rddreg [dreg:$0x0];
	s2 =	stileid.u32  }
0xb3: {  	s1 =	rddreg [dreg:$0x1];
	p0 =	sne.s32 s2, $0x0  }
0xb4: {  	s3 =	rddreg [dreg:$0x2];
	[bflag:$0x3] =	sbarrier.arrive $0xFFFF;
	s2 =	simm.s32 @!p0 $0x1C02  }
0xb5: {  	[timem:s3], [sflag:s2] =	dma.local @!p0 [hbm:s0], s1  }
0xb6: {  	s0 =	simm.s32 @!p0 $0x2  }
0xb7: {  	_ =	swait.ge @!p0 [sflag:s0], s1  }
0xb8: {  	s1 =	ssub.s32 @!p0 $0x0, s1;
	[sflag:s0] =	ssyncset.done @!p0 $0x0  }
0xb9: {  	[sflag:s0] =	ssyncadd.s32 @!p0 s1  }
0xba: {  	[bflag:$0x3] =	sbarrier.arrive $0xFFFF  }
0xbb: {  	_ =	shalt  }

</sc_bundles>
